<compile_context>
chip_gen: v7x
topology: tpu7x:2x2x1
jax: 0.10.2.dev20260603
libtpu: 0.0.44.dev20260713+nightly
codegen_flags: <defaults>
</compile_context>

<pallas_src>
import functools

import jax
import jax.numpy as jnp
from jax import lax
from jax.experimental import pallas as pl
from jax.experimental.pallas import tpu as pltpu
from jax.experimental.pallas import tpu_sc as plsc

B, D, H, E, K = 4096, 2048, 2048, 8, 2
TB = 512
NBUF = K * B + E * TB
NT = NBUF // TB
NC, NS = 2, 16
NW = NC * NS
GC = 24
CT = 8


def _gating_kernel(x_ref, gw_ref, gb_ref, eidx_ref, wgt_ref):
    logits = jnp.dot(x_ref[...], gw_ref[...].T,
                     preferred_element_type=jnp.float32) + gb_ref[0][None, :]
    col = jax.lax.broadcasted_iota(jnp.int32, logits.shape, 1)
    a1 = jnp.argmax(logits, axis=1, keepdims=True)
    m1 = jnp.max(logits, axis=1, keepdims=True)
    masked = jnp.where(col == a1, -jnp.inf, logits)
    a2 = jnp.argmax(masked, axis=1, keepdims=True)
    m2 = jnp.max(masked, axis=1, keepdims=True)
    z = jnp.exp(m2 - m1)
    eidx_ref[:, 0:1] = a1.astype(jnp.int32)
    eidx_ref[:, 1:2] = a2.astype(jnp.int32)
    wgt_ref[:, 0:1] = 1.0 / (1.0 + z)
    wgt_ref[:, 1:2] = z / (1.0 + z)


def _gather_body(x_hbm, src_hbm, xs_hbm, idx_v, buf0, buf1,
                 gsem0, gsem1, wsem0, wsem1):
    wid = lax.axis_index("s") * NC + lax.axis_index("c")
    rpw = NBUF // NW
    base = wid * rpw
    pltpu.sync_copy(src_hbm.at[pl.ds(base, rpw)], idx_v)
    bufs, gsems, wsems = (buf0, buf1), (gsem0, gsem1), (wsem0, wsem1)
    n = rpw // GC

    def start_gather(j):
        op = pltpu.make_async_copy(
            x_hbm.at[idx_v.at[pl.ds(j * GC, GC)]], bufs[j & 1], gsems[j & 1])
        op.start()
        return op

    wops = [None] * n
    g_prev = start_gather(0)
    for j in range(1, n):
        prev = 1 - (j & 1)
        if j >= 2:
            wops[j - 2].wait()
        g_cur = start_gather(j)
        g_prev.wait()
        w = pltpu.make_async_copy(
            bufs[prev], xs_hbm.at[pl.ds(base + (j - 1) * GC, GC)], wsems[prev])
        w.start()
        wops[j - 1] = w
        g_prev = g_cur
    wops[n - 2].wait()
    g_prev.wait()
    last = (n - 1) & 1
    w = pltpu.make_async_copy(
        bufs[last], xs_hbm.at[pl.ds(base + (n - 1) * GC, GC)], wsems[last])
    w.start()
    w.wait()


def _matmul_kernel(eid_ref, xs_ref, w_ref, b_ref, wrow_ref, ys_ref):
    t = pl.program_id(0)
    eid = eid_ref[t]

    @pl.when(eid < E)
    def _():
        acc = jnp.dot(xs_ref[...], w_ref[0].T,
                      preferred_element_type=jnp.float32) + b_ref[0]
        ys_ref[...] = wrow_ref[...] * acc


def _combine_body(ys_hbm, dest_hbm, out_hbm, idx_v, rbuf0, rbuf1,
                  obuf0, obuf1, gsem0, gsem1, wsem0, wsem1):
    wid = lax.axis_index("s") * NC + lax.axis_index("c")
    tpw = B // NW
    base_p = wid * tpw * K
    pltpu.sync_copy(dest_hbm.at[pl.ds(base_p, tpw * K)], idx_v)
    rbufs, obufs = (rbuf0, rbuf1), (obuf0, obuf1)
    gsems, wsems = (gsem0, gsem1), (wsem0, wsem1)
    n = tpw // CT

    def start_gather(j):
        op = pltpu.make_async_copy(
            ys_hbm.at[idx_v.at[pl.ds(j * CT * K, CT * K)]],
            rbufs[j & 1], gsems[j & 1])
        op.start()
        return op

    def compute(j):
        rows_v, out_v = rbufs[j & 1], obufs[j & 1]

        def body(v, carry):
            sl = pl.ds(v * 16, 16)
            for t in range(CT):
                out_v[t, sl] = rows_v[2 * t, sl] + rows_v[2 * t + 1, sl]
            return carry

        lax.fori_loop(0, H // 16, body, None)

    def start_writeback(j):
        op = pltpu.make_async_copy(
            obufs[j & 1], out_hbm.at[pl.ds(wid * tpw + j * CT, CT)],
            wsems[j & 1])
        op.start()
        return op

    wops = [None] * n
    g_prev = start_gather(0)
    for j in range(1, n):
        if j >= 2:
            wops[j - 2].wait()
        g_cur = start_gather(j)
        g_prev.wait()
        compute(j - 1)
        wops[j - 1] = start_writeback(j - 1)
        g_prev = g_cur
    wops[n - 2].wait()
    g_prev.wait()
    compute(n - 1)
    start_writeback(n - 1).wait()


_SC_MESH = plsc.VectorSubcoreMesh(core_axis_name="c", subcore_axis_name="s")

_gather_sc = functools.partial(
    pl.kernel, _gather_body, mesh=_SC_MESH,
    scratch_types=[
        pltpu.VMEM((NBUF // NW,), jnp.int32),
        pltpu.VMEM((GC, D), jnp.float32),
        pltpu.VMEM((GC, D), jnp.float32),
        pltpu.SemaphoreType.DMA,
        pltpu.SemaphoreType.DMA,
        pltpu.SemaphoreType.DMA,
        pltpu.SemaphoreType.DMA,
    ],
)

_combine_sc = functools.partial(
    pl.kernel, _combine_body, mesh=_SC_MESH,
    scratch_types=[
        pltpu.VMEM((B // NW * K,), jnp.int32),
        pltpu.VMEM((CT * K, H), jnp.float32),
        pltpu.VMEM((CT * K, H), jnp.float32),
        pltpu.VMEM((CT, H), jnp.float32),
        pltpu.VMEM((CT, H), jnp.float32),
        pltpu.SemaphoreType.DMA,
        pltpu.SemaphoreType.DMA,
        pltpu.SemaphoreType.DMA,
        pltpu.SemaphoreType.DMA,
    ],
)


@jax.jit
def kernel(x, gate_W, gate_b, W, b):
    gB = 512
    eidx, wgt = pl.pallas_call(
        _gating_kernel,
        grid=(B // gB,),
        in_specs=[
            pl.BlockSpec((gB, D), lambda i: (i, 0)),
            pl.BlockSpec((E, D), lambda i: (0, 0)),
            pl.BlockSpec((1, E), lambda i: (0, 0)),
        ],
        out_specs=[
            pl.BlockSpec((gB, K), lambda i: (i, 0)),
            pl.BlockSpec((gB, K), lambda i: (i, 0)),
        ],
        out_shape=[
            jax.ShapeDtypeStruct((B, K), jnp.int32),
            jax.ShapeDtypeStruct((B, K), jnp.float32),
        ],
    )(x, gate_W, gate_b.reshape(1, E))

    ep = eidx.reshape(-1)
    wp = wgt.reshape(-1)
    ohm = (ep[:, None] == jnp.arange(E, dtype=jnp.int32)).astype(jnp.int32)
    pos = jnp.cumsum(ohm, axis=0)
    rank = jnp.take_along_axis(pos, ep[:, None], axis=1)[:, 0] - 1
    counts = pos[-1]
    padded = ((counts + TB - 1) // TB) * TB
    ends = jnp.cumsum(padded)
    bases = ends - padded
    dest = bases[ep] + rank
    tok = jnp.arange(K * B, dtype=jnp.int32) // K
    src = jnp.zeros((NBUF,), jnp.int32).at[dest].set(tok, mode="drop")
    w_sorted = jnp.zeros((NBUF,), jnp.float32).at[dest].set(wp, mode="drop")
    tile_eid = jnp.searchsorted(
        ends, jnp.arange(NT, dtype=jnp.int32) * TB, side="right"
    ).astype(jnp.int32)

    xs = _gather_sc(out_type=jax.ShapeDtypeStruct((NBUF, D), jnp.float32))(
        x, src)

    return (jnp.zeros((B, H), jnp.float32)
            + xs[0, 0] + w_sorted.sum()
            + tile_eid.sum().astype(jnp.float32))

# --- scband reference (transcript-rebuilt; emitter-appended) ---
"""Pipeline reference for scband-mo-elayer-78460462564088 (READ-ONLY COPY).

The authoritative reference and input builder live on the scoring server;
editing this copy changes nothing except your own understanding.
"""

import jax, jax.numpy as jnp
import numpy as np

B, D, H, E, K = 4096, 2048, 2048, 8, 2


def setup_inputs(seed: int = 0) -> dict:
    key = jax.random.key(seed)
    ks = jax.random.split(key, 4)
    x = jax.random.normal(ks[0], (B, D), dtype=jnp.float32)
    # gate: nn.Linear(input_dim, num_experts) -> weight [E, D], bias [E]
    gate_W = jax.random.normal(ks[1], (E, D), dtype=jnp.float32) * 0.02
    gate_b = jnp.zeros((E,), dtype=jnp.float32)
    # experts: E x nn.Linear(input_dim, expert_dim) -> weight [E, H, D], bias [E, H]
    W = jax.random.normal(ks[2], (E, H, D), dtype=jnp.float32) * 0.02
    b = jnp.zeros((E, H), dtype=jnp.float32)
    return {"x": x, "gate_W": gate_W, "gate_b": gate_b, "W": W, "b": b}


def reference(x, gate_W, gate_b, W, b):
    # gate_logits = self.gate(x)
    gate_logits = x @ gate_W.T + gate_b
    # topk routing + softmax over top-k logits
    topk_vals, topk_idxs = jax.lax.top_k(gate_logits, K)
    topk_vals = jax.nn.softmax(topk_vals, axis=1)
    # combine weight per expert: sum over top-k slots matching expert i
    onehot = jax.nn.one_hot(topk_idxs, E, dtype=x.dtype)  # [B, K, E]
    comb = jnp.einsum('bk,bke->be', topk_vals, onehot)     # [B, E]
    # expert_out_i = x @ W_i.T + b_i, computed for all experts
    expert_outs = jnp.einsum('bd,ehd->beh', x, W) + b[None, :, :]  # [B, E, H]
    # out[expert_mask] += weighted * expert_out (dense equivalent: mask baked into comb)
    out = jnp.einsum('be,beh->bh', comb, expert_outs)  # [B, H]
    return out

if __name__ == "__main__":
    import jax
    _d = setup_inputs()
    print(jax.jit(kernel)(*tuple(_d.values())))

</pallas_src>

<mosaic_0001>
#map = affine_map<(d0, d1) -> (0, 0)>
#map1 = affine_map<(d0, d1) -> (0)>
module attributes {stable_mosaic.version = 14 : i64} {
  func.func @_gather_body(%arg0: i32, %arg1: i32, %arg2: memref<4096x2048xf32, #tpu.memory_space<hbm>>, %arg3: memref<12288xi32, #tpu.memory_space<hbm>>, %arg4: memref<12288x2048xf32, #tpu.memory_space<hbm>>, %arg5: memref<384xi32, #tpu.memory_space<vmem>>, %arg6: memref<24x2048xf32, #tpu.memory_space<vmem>>, %arg7: memref<24x2048xf32, #tpu.memory_space<vmem>>, %arg8: memref<!tpu.dma_semaphore, #tpu.memory_space<semaphore_mem>>, %arg9: memref<!tpu.dma_semaphore, #tpu.memory_space<semaphore_mem>>, %arg10: memref<!tpu.dma_semaphore, #tpu.memory_space<semaphore_mem>>, %arg11: memref<!tpu.dma_semaphore, #tpu.memory_space<semaphore_mem>>) attributes {dimension_semantics = [#tpu.dimension_semantics<core_parallel>, #tpu.dimension_semantics<subcore_parallel>], iteration_bounds = array<i64: 2, 16>, scalar_prefetch = 0 : i64, scratch_operands = 7 : i64, tpu.core_type = #tpu.core_type<sc_vector_subcore>, window_params = [{transform_indices = #map}, {transform_indices = #map1}, {transform_indices = #map}]} {
    %mul3A = arith.constant 2 : i32
    %mul3A_0 = arith.muli %arg1, %mul3A : i32
    %add3A = arith.addi %mul3A_0, %arg0 : i32
    %mul3A_1 = arith.constant 384 : i32
    %mul3A_2 = arith.muli %add3A, %mul3A_1 : i32
    "tpu.region"() ({
      %run_scoped3A = tpu.sem_alloc : memref<!tpu.dma_semaphore, #tpu.memory_space<semaphore_mem>>
      %dma_start3A_321 = tpu.memref_slice %arg3[%mul3A_2] : memref<12288xi32, #tpu.memory_space<hbm>> -> memref<384xi32, #tpu.memory_space<hbm>>
      %dma_start3A_322 = tpu.memref_slice %arg3[%mul3A_2] : memref<12288xi32, #tpu.memory_space<hbm>> -> memref<384xi32, #tpu.memory_space<hbm>>
      tpu.enqueue_dma source(%dma_start3A_322 : memref<384xi32, #tpu.memory_space<hbm>>) target(%arg5 : memref<384xi32, #tpu.memory_space<vmem>>) target_semaphore(%run_scoped3A : memref<!tpu.dma_semaphore, #tpu.memory_space<semaphore_mem>>)
      %dma_wait3A_323 = tpu.memref_slice %arg3[%mul3A_2] : memref<12288xi32, #tpu.memory_space<hbm>> -> memref<384xi32, #tpu.memory_space<hbm>>
      %dma_wait3A_324 = tpu.memref_slice %arg3[%mul3A_2] : memref<12288xi32, #tpu.memory_space<hbm>> -> memref<384xi32, #tpu.memory_space<hbm>>
      tpu.wait_dma2 semaphore(%run_scoped3A : memref<!tpu.dma_semaphore, #tpu.memory_space<semaphore_mem>>) src(%dma_wait3A_324 : memref<384xi32, #tpu.memory_space<hbm>>) dst(%arg5 : memref<384xi32, #tpu.memory_space<vmem>>)
      tpu.yield
    }) : () -> ()
    %dma_start3A = arith.constant 0 : i32
    %dma_start3A_3 = tpu.memref_slice %arg5[%dma_start3A] : memref<384xi32, #tpu.memory_space<vmem>> -> memref<24xi32, #tpu.memory_space<vmem>>
    %dma_start3A_4 = arith.constant 0 : i32
    %dma_start3A_5 = arith.constant 0 : i32
    %dma_start3A_6 = tpu.memref_slice %arg2[%dma_start3A_4, %dma_start3A_5] : memref<4096x2048xf32, #tpu.memory_space<hbm>> -> memref<4096x2048xf32, #tpu.memory_space<hbm>>
    tpu.enqueue_indirect_dma source(%dma_start3A_6 : memref<4096x2048xf32, #tpu.memory_space<hbm>>) target(%arg6 : memref<24x2048xf32, #tpu.memory_space<vmem>>) offsets(%dma_start3A_3 : memref<24xi32, #tpu.memory_space<vmem>>) semaphore(%arg8 : memref<!tpu.dma_semaphore, #tpu.memory_space<semaphore_mem>>)
    %dma_start3A_7 = arith.constant 24 : i32
    %dma_start3A_8 = tpu.memref_slice %arg5[%dma_start3A_7] : memref<384xi32, #tpu.memory_space<vmem>> -> memref<24xi32, #tpu.memory_space<vmem>>
    %dma_start3A_9 = arith.constant 0 : i32
    %dma_start3A_10 = arith.constant 0 : i32
    %dma_start3A_11 = tpu.memref_slice %arg2[%dma_start3A_9, %dma_start3A_10] : memref<4096x2048xf32, #tpu.memory_space<hbm>> -> memref<4096x2048xf32, #tpu.memory_space<hbm>>
    tpu.enqueue_indirect_dma source(%dma_start3A_11 : memref<4096x2048xf32, #tpu.memory_space<hbm>>) target(%arg7 : memref<24x2048xf32, #tpu.memory_space<vmem>>) offsets(%dma_start3A_8 : memref<24xi32, #tpu.memory_space<vmem>>) semaphore(%arg9 : memref<!tpu.dma_semaphore, #tpu.memory_space<semaphore_mem>>)
    %dma_wait3A = arith.constant 0 : i32
    %dma_wait3A_12 = tpu.memref_slice %arg5[%dma_wait3A] : memref<384xi32, #tpu.memory_space<vmem>> -> memref<24xi32, #tpu.memory_space<vmem>>
    %dma_wait3A_13 = arith.constant 0 : i32
    %dma_wait3A_14 = arith.constant 0 : i32
    %dma_wait3A_15 = tpu.memref_slice %arg2[%dma_wait3A_13, %dma_wait3A_14] : memref<4096x2048xf32, #tpu.memory_space<hbm>> -> memref<4096x2048xf32, #tpu.memory_space<hbm>>
    tpu.wait_indirect_dma semaphore(%arg8 : memref<!tpu.dma_semaphore, #tpu.memory_space<semaphore_mem>>) src(%dma_wait3A_15 : memref<4096x2048xf32, #tpu.memory_space<hbm>>) dst(%arg6 : memref<24x2048xf32, #tpu.memory_space<vmem>>)
    %add3A_16 = arith.constant 0 : i32
    %add3A_17 = arith.addi %mul3A_2, %add3A_16 : i32
    %dma_start3A_18 = arith.constant 0 : i32
    %dma_start3A_19 = tpu.memref_slice %arg4[%add3A_17, %dma_start3A_18] : memref<12288x2048xf32, #tpu.memory_space<hbm>> -> memref<24x2048xf32, #tpu.memory_space<hbm>>
    %dma_start3A_20 = arith.constant 0 : i32
    %dma_start3A_21 = tpu.memref_slice %arg4[%add3A_17, %dma_start3A_20] : memref<12288x2048xf32, #tpu.memory_space<hbm>> -> memref<24x2048xf32, #tpu.memory_space<hbm>>
    tpu.enqueue_dma source(%arg6 : memref<24x2048xf32, #tpu.memory_space<vmem>>) target(%dma_start3A_21 : memref<24x2048xf32, #tpu.memory_space<hbm>>) target_semaphore(%arg10 : memref<!tpu.dma_semaphore, #tpu.memory_space<semaphore_mem>>)
    %dma_wait3A_22 = arith.constant 0 : i32
    %dma_wait3A_23 = tpu.memref_slice %arg4[%add3A_17, %dma_wait3A_22] : memref<12288x2048xf32, #tpu.memory_space<hbm>> -> memref<24x2048xf32, #tpu.memory_space<hbm>>
    %dma_wait3A_24 = arith.constant 0 : i32
    %dma_wait3A_25 = tpu.memref_slice %arg4[%add3A_17, %dma_wait3A_24] : memref<12288x2048xf32, #tpu.memory_space<hbm>> -> memref<24x2048xf32, #tpu.memory_space<hbm>>
    tpu.wait_dma2 semaphore(%arg10 : memref<!tpu.dma_semaphore, #tpu.memory_space<semaphore_mem>>) src(%arg6 : memref<24x2048xf32, #tpu.memory_space<vmem>>) dst(%dma_wait3A_25 : memref<24x2048xf32, #tpu.memory_space<hbm>>)
    %dma_start3A_26 = arith.constant 48 : i32
    %dma_start3A_27 = tpu.memref_slice %arg5[%dma_start3A_26] : memref<384xi32, #tpu.memory_space<vmem>> -> memref<24xi32, #tpu.memory_space<vmem>>
    %dma_start3A_28 = arith.constant 0 : i32
    %dma_start3A_29 = arith.constant 0 : i32
    %dma_start3A_30 = tpu.memref_slice %arg2[%dma_start3A_28, %dma_start3A_29] : memref<4096x2048xf32, #tpu.memory_space<hbm>> -> memref<4096x2048xf32, #tpu.memory_space<hbm>>
    tpu.enqueue_indirect_dma source(%dma_start3A_30 : memref<4096x2048xf32, #tpu.memory_space<hbm>>) target(%arg6 : memref<24x2048xf32, #tpu.memory_space<vmem>>) offsets(%dma_start3A_27 : memref<24xi32, #tpu.memory_space<vmem>>) semaphore(%arg8 : memref<!tpu.dma_semaphore, #tpu.memory_space<semaphore_mem>>)
    %dma_wait3A_31 = arith.constant 24 : i32
    %dma_wait3A_32 = tpu.memref_slice %arg5[%dma_wait3A_31] : memref<384xi32, #tpu.memory_space<vmem>> -> memref<24xi32, #tpu.memory_space<vmem>>
    %dma_wait3A_33 = arith.constant 0 : i32
    %dma_wait3A_34 = arith.constant 0 : i32
    %dma_wait3A_35 = tpu.memref_slice %arg2[%dma_wait3A_33, %dma_wait3A_34] : memref<4096x2048xf32, #tpu.memory_space<hbm>> -> memref<4096x2048xf32, #tpu.memory_space<hbm>>
    tpu.wait_indirect_dma semaphore(%arg9 : memref<!tpu.dma_semaphore, #tpu.memory_space<semaphore_mem>>) src(%dma_wait3A_35 : memref<4096x2048xf32, #tpu.memory_space<hbm>>) dst(%arg7 : memref<24x2048xf32, #tpu.memory_space<vmem>>)
    %add3A_36 = arith.constant 24 : i32
    %add3A_37 = arith.addi %mul3A_2, %add3A_36 : i32
    %dma_start3A_38 = arith.constant 0 : i32
    %dma_start3A_39 = tpu.memref_slice %arg4[%add3A_37, %dma_start3A_38] : memref<12288x2048xf32, #tpu.memory_space<hbm>> -> memref<24x2048xf32, #tpu.memory_space<hbm>>
    %dma_start3A_40 = arith.constant 0 : i32
    %dma_start3A_41 = tpu.memref_slice %arg4[%add3A_37, %dma_start3A_40] : memref<12288x2048xf32, #tpu.memory_space<hbm>> -> memref<24x2048xf32, #tpu.memory_space<hbm>>
    tpu.enqueue_dma source(%arg7 : memref<24x2048xf32, #tpu.memory_space<vmem>>) target(%dma_start3A_41 : memref<24x2048xf32, #tpu.memory_space<hbm>>) target_semaphore(%arg11 : memref<!tpu.dma_semaphore, #tpu.memory_space<semaphore_mem>>)
    %dma_wait3A_42 = arith.constant 0 : i32
    %dma_wait3A_43 = tpu.memref_slice %arg4[%add3A_37, %dma_wait3A_42] : memref<12288x2048xf32, #tpu.memory_space<hbm>> -> memref<24x2048xf32, #tpu.memory_space<hbm>>
    %dma_wait3A_44 = arith.constant 0 : i32
    %dma_wait3A_45 = tpu.memref_slice %arg4[%add3A_37, %dma_wait3A_44] : memref<12288x2048xf32, #tpu.memory_space<hbm>> -> memref<24x2048xf32, #tpu.memory_space<hbm>>
    tpu.wait_dma2 semaphore(%arg11 : memref<!tpu.dma_semaphore, #tpu.memory_space<semaphore_mem>>) src(%arg7 : memref<24x2048xf32, #tpu.memory_space<vmem>>) dst(%dma_wait3A_45 : memref<24x2048xf32, #tpu.memory_space<hbm>>)
    %dma_start3A_46 = arith.constant 72 : i32
    %dma_start3A_47 = tpu.memref_slice %arg5[%dma_start3A_46] : memref<384xi32, #tpu.memory_space<vmem>> -> memref<24xi32, #tpu.memory_space<vmem>>
    %dma_start3A_48 = arith.constant 0 : i32
    %dma_start3A_49 = arith.constant 0 : i32
    %dma_start3A_50 = tpu.memref_slice %arg2[%dma_start3A_48, %dma_start3A_49] : memref<4096x2048xf32, #tpu.memory_space<hbm>> -> memref<4096x2048xf32, #tpu.memory_space<hbm>>
    tpu.enqueue_indirect_dma source(%dma_start3A_50 : memref<4096x2048xf32, #tpu.memory_space<hbm>>) target(%arg7 : memref<24x2048xf32, #tpu.memory_space<vmem>>) offsets(%dma_start3A_47 : memref<24xi32, #tpu.memory_space<vmem>>) semaphore(%arg9 : memref<!tpu.dma_semaphore, #tpu.memory_space<semaphore_mem>>)
    %dma_wait3A_51 = arith.constant 48 : i32
    %dma_wait3A_52 = tpu.memref_slice %arg5[%dma_wait3A_51] : memref<384xi32, #tpu.memory_space<vmem>> -> memref<24xi32, #tpu.memory_space<vmem>>
    %dma_wait3A_53 = arith.constant 0 : i32
    %dma_wait3A_54 = arith.constant 0 : i32
    %dma_wait3A_55 = tpu.memref_slice %arg2[%dma_wait3A_53, %dma_wait3A_54] : memref<4096x2048xf32, #tpu.memory_space<hbm>> -> memref<4096x2048xf32, #tpu.memory_space<hbm>>
    tpu.wait_indirect_dma semaphore(%arg8 : memref<!tpu.dma_semaphore, #tpu.memory_space<semaphore_mem>>) src(%dma_wait3A_55 : memref<4096x2048xf32, #tpu.memory_space<hbm>>) dst(%arg6 : memref<24x2048xf32, #tpu.memory_space<vmem>>)
    %add3A_56 = arith.constant 48 : i32
    %add3A_57 = arith.addi %mul3A_2, %add3A_56 : i32
    %dma_start3A_58 = arith.constant 0 : i32
    %dma_start3A_59 = tpu.memref_slice %arg4[%add3A_57, %dma_start3A_58] : memref<12288x2048xf32, #tpu.memory_space<hbm>> -> memref<24x2048xf32, #tpu.memory_space<hbm>>
    %dma_start3A_60 = arith.constant 0 : i32
    %dma_start3A_61 = tpu.memref_slice %arg4[%add3A_57, %dma_start3A_60] : memref<12288x2048xf32, #tpu.memory_space<hbm>> -> memref<24x2048xf32, #tpu.memory_space<hbm>>
    tpu.enqueue_dma source(%arg6 : memref<24x2048xf32, #tpu.memory_space<vmem>>) target(%dma_start3A_61 : memref<24x2048xf32, #tpu.memory_space<hbm>>) target_semaphore(%arg10 : memref<!tpu.dma_semaphore, #tpu.memory_space<semaphore_mem>>)
    %dma_wait3A_62 = arith.constant 0 : i32
    %dma_wait3A_63 = tpu.memref_slice %arg4[%add3A_57, %dma_wait3A_62] : memref<12288x2048xf32, #tpu.memory_space<hbm>> -> memref<24x2048xf32, #tpu.memory_space<hbm>>
    %dma_wait3A_64 = arith.constant 0 : i32
    %dma_wait3A_65 = tpu.memref_slice %arg4[%add3A_57, %dma_wait3A_64] : memref<12288x2048xf32, #tpu.memory_space<hbm>> -> memref<24x2048xf32, #tpu.memory_space<hbm>>
    tpu.wait_dma2 semaphore(%arg10 : memref<!tpu.dma_semaphore, #tpu.memory_space<semaphore_mem>>) src(%arg6 : memref<24x2048xf32, #tpu.memory_space<vmem>>) dst(%dma_wait3A_65 : memref<24x2048xf32, #tpu.memory_space<hbm>>)
    %dma_start3A_66 = arith.constant 96 : i32
    %dma_start3A_67 = tpu.memref_slice %arg5[%dma_start3A_66] : memref<384xi32, #tpu.memory_space<vmem>> -> memref<24xi32, #tpu.memory_space<vmem>>
    %dma_start3A_68 = arith.constant 0 : i32
    %dma_start3A_69 = arith.constant 0 : i32
    %dma_start3A_70 = tpu.memref_slice %arg2[%dma_start3A_68, %dma_start3A_69] : memref<4096x2048xf32, #tpu.memory_space<hbm>> -> memref<4096x2048xf32, #tpu.memory_space<hbm>>
    tpu.enqueue_indirect_dma source(%dma_start3A_70 : memref<4096x2048xf32, #tpu.memory_space<hbm>>) target(%arg6 : memref<24x2048xf32, #tpu.memory_space<vmem>>) offsets(%dma_start3A_67 : memref<24xi32, #tpu.memory_space<vmem>>) semaphore(%arg8 : memref<!tpu.dma_semaphore, #tpu.memory_space<semaphore_mem>>)
    %dma_wait3A_71 = arith.constant 72 : i32
    %dma_wait3A_72 = tpu.memref_slice %arg5[%dma_wait3A_71] : memref<384xi32, #tpu.memory_space<vmem>> -> memref<24xi32, #tpu.memory_space<vmem>>
    %dma_wait3A_73 = arith.constant 0 : i32
    %dma_wait3A_74 = arith.constant 0 : i32
    %dma_wait3A_75 = tpu.memref_slice %arg2[%dma_wait3A_73, %dma_wait3A_74] : memref<4096x2048xf32, #tpu.memory_space<hbm>> -> memref<4096x2048xf32, #tpu.memory_space<hbm>>
    tpu.wait_indirect_dma semaphore(%arg9 : memref<!tpu.dma_semaphore, #tpu.memory_space<semaphore_mem>>) src(%dma_wait3A_75 : memref<4096x2048xf32, #tpu.memory_space<hbm>>) dst(%arg7 : memref<24x2048xf32, #tpu.memory_space<vmem>>)
    %add3A_76 = arith.constant 72 : i32
    %add3A_77 = arith.addi %mul3A_2, %add3A_76 : i32
    %dma_start3A_78 = arith.constant 0 : i32
    %dma_start3A_79 = tpu.memref_slice %arg4[%add3A_77, %dma_start3A_78] : memref<12288x2048xf32, #tpu.memory_space<hbm>> -> memref<24x2048xf32, #tpu.memory_space<hbm>>
    %dma_start3A_80 = arith.constant 0 : i32
    %dma_start3A_81 = tpu.memref_slice %arg4[%add3A_77, %dma_start3A_80] : memref<12288x2048xf32, #tpu.memory_space<hbm>> -> memref<24x2048xf32, #tpu.memory_space<hbm>>
    tpu.enqueue_dma source(%arg7 : memref<24x2048xf32, #tpu.memory_space<vmem>>) target(%dma_start3A_81 : memref<24x2048xf32, #tpu.memory_space<hbm>>) target_semaphore(%arg11 : memref<!tpu.dma_semaphore, #tpu.memory_space<semaphore_mem>>)
    %dma_wait3A_82 = arith.constant 0 : i32
    %dma_wait3A_83 = tpu.memref_slice %arg4[%add3A_77, %dma_wait3A_82] : memref<12288x2048xf32, #tpu.memory_space<hbm>> -> memref<24x2048xf32, #tpu.memory_space<hbm>>
    %dma_wait3A_84 = arith.constant 0 : i32
    %dma_wait3A_85 = tpu.memref_slice %arg4[%add3A_77, %dma_wait3A_84] : memref<12288x2048xf32, #tpu.memory_space<hbm>> -> memref<24x2048xf32, #tpu.memory_space<hbm>>
    tpu.wait_dma2 semaphore(%arg11 : memref<!tpu.dma_semaphore, #tpu.memory_space<semaphore_mem>>) src(%arg7 : memref<24x2048xf32, #tpu.memory_space<vmem>>) dst(%dma_wait3A_85 : memref<24x2048xf32, #tpu.memory_space<hbm>>)
    %dma_start3A_86 = arith.constant 120 : i32
    %dma_start3A_87 = tpu.memref_slice %arg5[%dma_start3A_86] : memref<384xi32, #tpu.memory_space<vmem>> -> memref<24xi32, #tpu.memory_space<vmem>>
    %dma_start3A_88 = arith.constant 0 : i32
    %dma_start3A_89 = arith.constant 0 : i32
    %dma_start3A_90 = tpu.memref_slice %arg2[%dma_start3A_88, %dma_start3A_89] : memref<4096x2048xf32, #tpu.memory_space<hbm>> -> memref<4096x2048xf32, #tpu.memory_space<hbm>>
    tpu.enqueue_indirect_dma source(%dma_start3A_90 : memref<4096x2048xf32, #tpu.memory_space<hbm>>) target(%arg7 : memref<24x2048xf32, #tpu.memory_space<vmem>>) offsets(%dma_start3A_87 : memref<24xi32, #tpu.memory_space<vmem>>) semaphore(%arg9 : memref<!tpu.dma_semaphore, #tpu.memory_space<semaphore_mem>>)
    %dma_wait3A_91 = arith.constant 96 : i32
    %dma_wait3A_92 = tpu.memref_slice %arg5[%dma_wait3A_91] : memref<384xi32, #tpu.memory_space<vmem>> -> memref<24xi32, #tpu.memory_space<vmem>>
    %dma_wait3A_93 = arith.constant 0 : i32
    %dma_wait3A_94 = arith.constant 0 : i32
    %dma_wait3A_95 = tpu.memref_slice %arg2[%dma_wait3A_93, %dma_wait3A_94] : memref<4096x2048xf32, #tpu.memory_space<hbm>> -> memref<4096x2048xf32, #tpu.memory_space<hbm>>
    tpu.wait_indirect_dma semaphore(%arg8 : memref<!tpu.dma_semaphore, #tpu.memory_space<semaphore_mem>>) src(%dma_wait3A_95 : memref<4096x2048xf32, #tpu.memory_space<hbm>>) dst(%arg6 : memref<24x2048xf32, #tpu.memory_space<vmem>>)
    %add3A_96 = arith.constant 96 : i32
    %add3A_97 = arith.addi %mul3A_2, %add3A_96 : i32
    %dma_start3A_98 = arith.constant 0 : i32
    %dma_start3A_99 = tpu.memref_slice %arg4[%add3A_97, %dma_start3A_98] : memref<12288x2048xf32, #tpu.memory_space<hbm>> -> memref<24x2048xf32, #tpu.memory_space<hbm>>
    %dma_start3A_100 = arith.constant 0 : i32
    %dma_start3A_101 = tpu.memref_slice %arg4[%add3A_97, %dma_start3A_100] : memref<12288x2048xf32, #tpu.memory_space<hbm>> -> memref<24x2048xf32, #tpu.memory_space<hbm>>
    tpu.enqueue_dma source(%arg6 : memref<24x2048xf32, #tpu.memory_space<vmem>>) target(%dma_start3A_101 : memref<24x2048xf32, #tpu.memory_space<hbm>>) target_semaphore(%arg10 : memref<!tpu.dma_semaphore, #tpu.memory_space<semaphore_mem>>)
    %dma_wait3A_102 = arith.constant 0 : i32
    %dma_wait3A_103 = tpu.memref_slice %arg4[%add3A_97, %dma_wait3A_102] : memref<12288x2048xf32, #tpu.memory_space<hbm>> -> memref<24x2048xf32, #tpu.memory_space<hbm>>
    %dma_wait3A_104 = arith.constant 0 : i32
    %dma_wait3A_105 = tpu.memref_slice %arg4[%add3A_97, %dma_wait3A_104] : memref<12288x2048xf32, #tpu.memory_space<hbm>> -> memref<24x2048xf32, #tpu.memory_space<hbm>>
    tpu.wait_dma2 semaphore(%arg10 : memref<!tpu.dma_semaphore, #tpu.memory_space<semaphore_mem>>) src(%arg6 : memref<24x2048xf32, #tpu.memory_space<vmem>>) dst(%dma_wait3A_105 : memref<24x2048xf32, #tpu.memory_space<hbm>>)
    %dma_start3A_106 = arith.constant 144 : i32
    %dma_start3A_107 = tpu.memref_slice %arg5[%dma_start3A_106] : memref<384xi32, #tpu.memory_space<vmem>> -> memref<24xi32, #tpu.memory_space<vmem>>
    %dma_start3A_108 = arith.constant 0 : i32
    %dma_start3A_109 = arith.constant 0 : i32
    %dma_start3A_110 = tpu.memref_slice %arg2[%dma_start3A_108, %dma_start3A_109] : memref<4096x2048xf32, #tpu.memory_space<hbm>> -> memref<4096x2048xf32, #tpu.memory_space<hbm>>
    tpu.enqueue_indirect_dma source(%dma_start3A_110 : memref<4096x2048xf32, #tpu.memory_space<hbm>>) target(%arg6 : memref<24x2048xf32, #tpu.memory_space<vmem>>) offsets(%dma_start3A_107 : memref<24xi32, #tpu.memory_space<vmem>>) semaphore(%arg8 : memref<!tpu.dma_semaphore, #tpu.memory_space<semaphore_mem>>)
    %dma_wait3A_111 = arith.constant 120 : i32
    %dma_wait3A_112 = tpu.memref_slice %arg5[%dma_wait3A_111] : memref<384xi32, #tpu.memory_space<vmem>> -> memref<24xi32, #tpu.memory_space<vmem>>
    %dma_wait3A_113 = arith.constant 0 : i32
    %dma_wait3A_114 = arith.constant 0 : i32
    %dma_wait3A_115 = tpu.memref_slice %arg2[%dma_wait3A_113, %dma_wait3A_114] : memref<4096x2048xf32, #tpu.memory_space<hbm>> -> memref<4096x2048xf32, #tpu.memory_space<hbm>>
    tpu.wait_indirect_dma semaphore(%arg9 : memref<!tpu.dma_semaphore, #tpu.memory_space<semaphore_mem>>) src(%dma_wait3A_115 : memref<4096x2048xf32, #tpu.memory_space<hbm>>) dst(%arg7 : memref<24x2048xf32, #tpu.memory_space<vmem>>)
    %add3A_116 = arith.constant 120 : i32
    %add3A_117 = arith.addi %mul3A_2, %add3A_116 : i32
    %dma_start3A_118 = arith.constant 0 : i32
    %dma_start3A_119 = tpu.memref_slice %arg4[%add3A_117, %dma_start3A_118] : memref<12288x2048xf32, #tpu.memory_space<hbm>> -> memref<24x2048xf32, #tpu.memory_space<hbm>>
    %dma_start3A_120 = arith.constant 0 : i32
    %dma_start3A_121 = tpu.memref_slice %arg4[%add3A_117, %dma_start3A_120] : memref<12288x2048xf32, #tpu.memory_space<hbm>> -> memref<24x2048xf32, #tpu.memory_space<hbm>>
    tpu.enqueue_dma source(%arg7 : memref<24x2048xf32, #tpu.memory_space<vmem>>) target(%dma_start3A_121 : memref<24x2048xf32, #tpu.memory_space<hbm>>) target_semaphore(%arg11 : memref<!tpu.dma_semaphore, #tpu.memory_space<semaphore_mem>>)
    %dma_wait3A_122 = arith.constant 0 : i32
    %dma_wait3A_123 = tpu.memref_slice %arg4[%add3A_117, %dma_wait3A_122] : memref<12288x2048xf32, #tpu.memory_space<hbm>> -> memref<24x2048xf32, #tpu.memory_space<hbm>>
    %dma_wait3A_124 = arith.constant 0 : i32
    %dma_wait3A_125 = tpu.memref_slice %arg4[%add3A_117, %dma_wait3A_124] : memref<12288x2048xf32, #tpu.memory_space<hbm>> -> memref<24x2048xf32, #tpu.memory_space<hbm>>
    tpu.wait_dma2 semaphore(%arg11 : memref<!tpu.dma_semaphore, #tpu.memory_space<semaphore_mem>>) src(%arg7 : memref<24x2048xf32, #tpu.memory_space<vmem>>) dst(%dma_wait3A_125 : memref<24x2048xf32, #tpu.memory_space<hbm>>)
    %dma_start3A_126 = arith.constant 168 : i32
    %dma_start3A_127 = tpu.memref_slice %arg5[%dma_start3A_126] : memref<384xi32, #tpu.memory_space<vmem>> -> memref<24xi32, #tpu.memory_space<vmem>>
    %dma_start3A_128 = arith.constant 0 : i32
    %dma_start3A_129 = arith.constant 0 : i32
    %dma_start3A_130 = tpu.memref_slice %arg2[%dma_start3A_128, %dma_start3A_129] : memref<4096x2048xf32, #tpu.memory_space<hbm>> -> memref<4096x2048xf32, #tpu.memory_space<hbm>>
    tpu.enqueue_indirect_dma source(%dma_start3A_130 : memref<4096x2048xf32, #tpu.memory_space<hbm>>) target(%arg7 : memref<24x2048xf32, #tpu.memory_space<vmem>>) offsets(%dma_start3A_127 : memref<24xi32, #tpu.memory_space<vmem>>) semaphore(%arg9 : memref<!tpu.dma_semaphore, #tpu.memory_space<semaphore_mem>>)
    %dma_wait3A_131 = arith.constant 144 : i32
    %dma_wait3A_132 = tpu.memref_slice %arg5[%dma_wait3A_131] : memref<384xi32, #tpu.memory_space<vmem>> -> memref<24xi32, #tpu.memory_space<vmem>>
    %dma_wait3A_133 = arith.constant 0 : i32
    %dma_wait3A_134 = arith.constant 0 : i32
    %dma_wait3A_135 = tpu.memref_slice %arg2[%dma_wait3A_133, %dma_wait3A_134] : memref<4096x2048xf32, #tpu.memory_space<hbm>> -> memref<4096x2048xf32, #tpu.memory_space<hbm>>
    tpu.wait_indirect_dma semaphore(%arg8 : memref<!tpu.dma_semaphore, #tpu.memory_space<semaphore_mem>>) src(%dma_wait3A_135 : memref<4096x2048xf32, #tpu.memory_space<hbm>>) dst(%arg6 : memref<24x2048xf32, #tpu.memory_space<vmem>>)
    %add3A_136 = arith.constant 144 : i32
    %add3A_137 = arith.addi %mul3A_2, %add3A_136 : i32
    %dma_start3A_138 = arith.constant 0 : i32
    %dma_start3A_139 = tpu.memref_slice %arg4[%add3A_137, %dma_start3A_138] : memref<12288x2048xf32, #tpu.memory_space<hbm>> -> memref<24x2048xf32, #tpu.memory_space<hbm>>
    %dma_start3A_140 = arith.constant 0 : i32
    %dma_start3A_141 = tpu.memref_slice %arg4[%add3A_137, %dma_start3A_140] : memref<12288x2048xf32, #tpu.memory_space<hbm>> -> memref<24x2048xf32, #tpu.memory_space<hbm>>
    tpu.enqueue_dma source(%arg6 : memref<24x2048xf32, #tpu.memory_space<vmem>>) target(%dma_start3A_141 : memref<24x2048xf32, #tpu.memory_space<hbm>>) target_semaphore(%arg10 : memref<!tpu.dma_semaphore, #tpu.memory_space<semaphore_mem>>)
    %dma_wait3A_142 = arith.constant 0 : i32
    %dma_wait3A_143 = tpu.memref_slice %arg4[%add3A_137, %dma_wait3A_142] : memref<12288x2048xf32, #tpu.memory_space<hbm>> -> memref<24x2048xf32, #tpu.memory_space<hbm>>
    %dma_wait3A_144 = arith.constant 0 : i32
    %dma_wait3A_145 = tpu.memref_slice %arg4[%add3A_137, %dma_wait3A_144] : memref<12288x2048xf32, #tpu.memory_space<hbm>> -> memref<24x2048xf32, #tpu.memory_space<hbm>>
    tpu.wait_dma2 semaphore(%arg10 : memref<!tpu.dma_semaphore, #tpu.memory_space<semaphore_mem>>) src(%arg6 : memref<24x2048xf32, #tpu.memory_space<vmem>>) dst(%dma_wait3A_145 : memref<24x2048xf32, #tpu.memory_space<hbm>>)
    %dma_start3A_146 = arith.constant 192 : i32
    %dma_start3A_147 = tpu.memref_slice %arg5[%dma_start3A_146] : memref<384xi32, #tpu.memory_space<vmem>> -> memref<24xi32, #tpu.memory_space<vmem>>
    %dma_start3A_148 = arith.constant 0 : i32
    %dma_start3A_149 = arith.constant 0 : i32
    %dma_start3A_150 = tpu.memref_slice %arg2[%dma_start3A_148, %dma_start3A_149] : memref<4096x2048xf32, #tpu.memory_space<hbm>> -> memref<4096x2048xf32, #tpu.memory_space<hbm>>
    tpu.enqueue_indirect_dma source(%dma_start3A_150 : memref<4096x2048xf32, #tpu.memory_space<hbm>>) target(%arg6 : memref<24x2048xf32, #tpu.memory_space<vmem>>) offsets(%dma_start3A_147 : memref<24xi32, #tpu.memory_space<vmem>>) semaphore(%arg8 : memref<!tpu.dma_semaphore, #tpu.memory_space<semaphore_mem>>)
    %dma_wait3A_151 = arith.constant 168 : i32
    %dma_wait3A_152 = tpu.memref_slice %arg5[%dma_wait3A_151] : memref<384xi32, #tpu.memory_space<vmem>> -> memref<24xi32, #tpu.memory_space<vmem>>
    %dma_wait3A_153 = arith.constant 0 : i32
    %dma_wait3A_154 = arith.constant 0 : i32
    %dma_wait3A_155 = tpu.memref_slice %arg2[%dma_wait3A_153, %dma_wait3A_154] : memref<4096x2048xf32, #tpu.memory_space<hbm>> -> memref<4096x2048xf32, #tpu.memory_space<hbm>>
    tpu.wait_indirect_dma semaphore(%arg9 : memref<!tpu.dma_semaphore, #tpu.memory_space<semaphore_mem>>) src(%dma_wait3A_155 : memref<4096x2048xf32, #tpu.memory_space<hbm>>) dst(%arg7 : memref<24x2048xf32, #tpu.memory_space<vmem>>)
    %add3A_156 = arith.constant 168 : i32
    %add3A_157 = arith.addi %mul3A_2, %add3A_156 : i32
    %dma_start3A_158 = arith.constant 0 : i32
    %dma_start3A_159 = tpu.memref_slice %arg4[%add3A_157, %dma_start3A_158] : memref<12288x2048xf32, #tpu.memory_space<hbm>> -> memref<24x2048xf32, #tpu.memory_space<hbm>>
    %dma_start3A_160 = arith.constant 0 : i32
    %dma_start3A_161 = tpu.memref_slice %arg4[%add3A_157, %dma_start3A_160] : memref<12288x2048xf32, #tpu.memory_space<hbm>> -> memref<24x2048xf32, #tpu.memory_space<hbm>>
    tpu.enqueue_dma source(%arg7 : memref<24x2048xf32, #tpu.memory_space<vmem>>) target(%dma_start3A_161 : memref<24x2048xf32, #tpu.memory_space<hbm>>) target_semaphore(%arg11 : memref<!tpu.dma_semaphore, #tpu.memory_space<semaphore_mem>>)
    %dma_wait3A_162 = arith.constant 0 : i32
    %dma_wait3A_163 = tpu.memref_slice %arg4[%add3A_157, %dma_wait3A_162] : memref<12288x2048xf32, #tpu.memory_space<hbm>> -> memref<24x2048xf32, #tpu.memory_space<hbm>>
    %dma_wait3A_164 = arith.constant 0 : i32
    %dma_wait3A_165 = tpu.memref_slice %arg4[%add3A_157, %dma_wait3A_164] : memref<12288x2048xf32, #tpu.memory_space<hbm>> -> memref<24x2048xf32, #tpu.memory_space<hbm>>
    tpu.wait_dma2 semaphore(%arg11 : memref<!tpu.dma_semaphore, #tpu.memory_space<semaphore_mem>>) src(%arg7 : memref<24x2048xf32, #tpu.memory_space<vmem>>) dst(%dma_wait3A_165 : memref<24x2048xf32, #tpu.memory_space<hbm>>)
    %dma_start3A_166 = arith.constant 216 : i32
    %dma_start3A_167 = tpu.memref_slice %arg5[%dma_start3A_166] : memref<384xi32, #tpu.memory_space<vmem>> -> memref<24xi32, #tpu.memory_space<vmem>>
    %dma_start3A_168 = arith.constant 0 : i32
    %dma_start3A_169 = arith.constant 0 : i32
    %dma_start3A_170 = tpu.memref_slice %arg2[%dma_start3A_168, %dma_start3A_169] : memref<4096x2048xf32, #tpu.memory_space<hbm>> -> memref<4096x2048xf32, #tpu.memory_space<hbm>>
    tpu.enqueue_indirect_dma source(%dma_start3A_170 : memref<4096x2048xf32, #tpu.memory_space<hbm>>) target(%arg7 : memref<24x2048xf32, #tpu.memory_space<vmem>>) offsets(%dma_start3A_167 : memref<24xi32, #tpu.memory_space<vmem>>) semaphore(%arg9 : memref<!tpu.dma_semaphore, #tpu.memory_space<semaphore_mem>>)
    %dma_wait3A_171 = arith.constant 192 : i32
    %dma_wait3A_172 = tpu.memref_slice %arg5[%dma_wait3A_171] : memref<384xi32, #tpu.memory_space<vmem>> -> memref<24xi32, #tpu.memory_space<vmem>>
    %dma_wait3A_173 = arith.constant 0 : i32
    %dma_wait3A_174 = arith.constant 0 : i32
    %dma_wait3A_175 = tpu.memref_slice %arg2[%dma_wait3A_173, %dma_wait3A_174] : memref<4096x2048xf32, #tpu.memory_space<hbm>> -> memref<4096x2048xf32, #tpu.memory_space<hbm>>
    tpu.wait_indirect_dma semaphore(%arg8 : memref<!tpu.dma_semaphore, #tpu.memory_space<semaphore_mem>>) src(%dma_wait3A_175 : memref<4096x2048xf32, #tpu.memory_space<hbm>>) dst(%arg6 : memref<24x2048xf32, #tpu.memory_space<vmem>>)
    %add3A_176 = arith.constant 192 : i32
    %add3A_177 = arith.addi %mul3A_2, %add3A_176 : i32
    %dma_start3A_178 = arith.constant 0 : i32
    %dma_start3A_179 = tpu.memref_slice %arg4[%add3A_177, %dma_start3A_178] : memref<12288x2048xf32, #tpu.memory_space<hbm>> -> memref<24x2048xf32, #tpu.memory_space<hbm>>
    %dma_start3A_180 = arith.constant 0 : i32
    %dma_start3A_181 = tpu.memref_slice %arg4[%add3A_177, %dma_start3A_180] : memref<12288x2048xf32, #tpu.memory_space<hbm>> -> memref<24x2048xf32, #tpu.memory_space<hbm>>
    tpu.enqueue_dma source(%arg6 : memref<24x2048xf32, #tpu.memory_space<vmem>>) target(%dma_start3A_181 : memref<24x2048xf32, #tpu.memory_space<hbm>>) target_semaphore(%arg10 : memref<!tpu.dma_semaphore, #tpu.memory_space<semaphore_mem>>)
    %dma_wait3A_182 = arith.constant 0 : i32
    %dma_wait3A_183 = tpu.memref_slice %arg4[%add3A_177, %dma_wait3A_182] : memref<12288x2048xf32, #tpu.memory_space<hbm>> -> memref<24x2048xf32, #tpu.memory_space<hbm>>
    %dma_wait3A_184 = arith.constant 0 : i32
    %dma_wait3A_185 = tpu.memref_slice %arg4[%add3A_177, %dma_wait3A_184] : memref<12288x2048xf32, #tpu.memory_space<hbm>> -> memref<24x2048xf32, #tpu.memory_space<hbm>>
    tpu.wait_dma2 semaphore(%arg10 : memref<!tpu.dma_semaphore, #tpu.memory_space<semaphore_mem>>) src(%arg6 : memref<24x2048xf32, #tpu.memory_space<vmem>>) dst(%dma_wait3A_185 : memref<24x2048xf32, #tpu.memory_space<hbm>>)
    %dma_start3A_186 = arith.constant 240 : i32
    %dma_start3A_187 = tpu.memref_slice %arg5[%dma_start3A_186] : memref<384xi32, #tpu.memory_space<vmem>> -> memref<24xi32, #tpu.memory_space<vmem>>
    %dma_start3A_188 = arith.constant 0 : i32
    %dma_start3A_189 = arith.constant 0 : i32
    %dma_start3A_190 = tpu.memref_slice %arg2[%dma_start3A_188, %dma_start3A_189] : memref<4096x2048xf32, #tpu.memory_space<hbm>> -> memref<4096x2048xf32, #tpu.memory_space<hbm>>
    tpu.enqueue_indirect_dma source(%dma_start3A_190 : memref<4096x2048xf32, #tpu.memory_space<hbm>>) target(%arg6 : memref<24x2048xf32, #tpu.memory_space<vmem>>) offsets(%dma_start3A_187 : memref<24xi32, #tpu.memory_space<vmem>>) semaphore(%arg8 : memref<!tpu.dma_semaphore, #tpu.memory_space<semaphore_mem>>)
    %dma_wait3A_191 = arith.constant 216 : i32
    %dma_wait3A_192 = tpu.memref_slice %arg5[%dma_wait3A_191] : memref<384xi32, #tpu.memory_space<vmem>> -> memref<24xi32, #tpu.memory_space<vmem>>
    %dma_wait3A_193 = arith.constant 0 : i32
    %dma_wait3A_194 = arith.constant 0 : i32
    %dma_wait3A_195 = tpu.memref_slice %arg2[%dma_wait3A_193, %dma_wait3A_194] : memref<4096x2048xf32, #tpu.memory_space<hbm>> -> memref<4096x2048xf32, #tpu.memory_space<hbm>>
    tpu.wait_indirect_dma semaphore(%arg9 : memref<!tpu.dma_semaphore, #tpu.memory_space<semaphore_mem>>) src(%dma_wait3A_195 : memref<4096x2048xf32, #tpu.memory_space<hbm>>) dst(%arg7 : memref<24x2048xf32, #tpu.memory_space<vmem>>)
    %add3A_196 = arith.constant 216 : i32
    %add3A_197 = arith.addi %mul3A_2, %add3A_196 : i32
    %dma_start3A_198 = arith.constant 0 : i32
    %dma_start3A_199 = tpu.memref_slice %arg4[%add3A_197, %dma_start3A_198] : memref<12288x2048xf32, #tpu.memory_space<hbm>> -> memref<24x2048xf32, #tpu.memory_space<hbm>>
    %dma_start3A_200 = arith.constant 0 : i32
    %dma_start3A_201 = tpu.memref_slice %arg4[%add3A_197, %dma_start3A_200] : memref<12288x2048xf32, #tpu.memory_space<hbm>> -> memref<24x2048xf32, #tpu.memory_space<hbm>>
    tpu.enqueue_dma source(%arg7 : memref<24x2048xf32, #tpu.memory_space<vmem>>) target(%dma_start3A_201 : memref<24x2048xf32, #tpu.memory_space<hbm>>) target_semaphore(%arg11 : memref<!tpu.dma_semaphore, #tpu.memory_space<semaphore_mem>>)
    %dma_wait3A_202 = arith.constant 0 : i32
    %dma_wait3A_203 = tpu.memref_slice %arg4[%add3A_197, %dma_wait3A_202] : memref<12288x2048xf32, #tpu.memory_space<hbm>> -> memref<24x2048xf32, #tpu.memory_space<hbm>>
    %dma_wait3A_204 = arith.constant 0 : i32
    %dma_wait3A_205 = tpu.memref_slice %arg4[%add3A_197, %dma_wait3A_204] : memref<12288x2048xf32, #tpu.memory_space<hbm>> -> memref<24x2048xf32, #tpu.memory_space<hbm>>
    tpu.wait_dma2 semaphore(%arg11 : memref<!tpu.dma_semaphore, #tpu.memory_space<semaphore_mem>>) src(%arg7 : memref<24x2048xf32, #tpu.memory_space<vmem>>) dst(%dma_wait3A_205 : memref<24x2048xf32, #tpu.memory_space<hbm>>)
    %dma_start3A_206 = arith.constant 264 : i32
    %dma_start3A_207 = tpu.memref_slice %arg5[%dma_start3A_206] : memref<384xi32, #tpu.memory_space<vmem>> -> memref<24xi32, #tpu.memory_space<vmem>>
    %dma_start3A_208 = arith.constant 0 : i32
    %dma_start3A_209 = arith.constant 0 : i32
    %dma_start3A_210 = tpu.memref_slice %arg2[%dma_start3A_208, %dma_start3A_209] : memref<4096x2048xf32, #tpu.memory_space<hbm>> -> memref<4096x2048xf32, #tpu.memory_space<hbm>>
    tpu.enqueue_indirect_dma source(%dma_start3A_210 : memref<4096x2048xf32, #tpu.memory_space<hbm>>) target(%arg7 : memref<24x2048xf32, #tpu.memory_space<vmem>>) offsets(%dma_start3A_207 : memref<24xi32, #tpu.memory_space<vmem>>) semaphore(%arg9 : memref<!tpu.dma_semaphore, #tpu.memory_space<semaphore_mem>>)
    %dma_wait3A_211 = arith.constant 240 : i32
    %dma_wait3A_212 = tpu.memref_slice %arg5[%dma_wait3A_211] : memref<384xi32, #tpu.memory_space<vmem>> -> memref<24xi32, #tpu.memory_space<vmem>>
    %dma_wait3A_213 = arith.constant 0 : i32
    %dma_wait3A_214 = arith.constant 0 : i32
    %dma_wait3A_215 = tpu.memref_slice %arg2[%dma_wait3A_213, %dma_wait3A_214] : memref<4096x2048xf32, #tpu.memory_space<hbm>> -> memref<4096x2048xf32, #tpu.memory_space<hbm>>
    tpu.wait_indirect_dma semaphore(%arg8 : memref<!tpu.dma_semaphore, #tpu.memory_space<semaphore_mem>>) src(%dma_wait3A_215 : memref<4096x2048xf32, #tpu.memory_space<hbm>>) dst(%arg6 : memref<24x2048xf32, #tpu.memory_space<vmem>>)
    %add3A_216 = arith.constant 240 : i32
    %add3A_217 = arith.addi %mul3A_2, %add3A_216 : i32
    %dma_start3A_218 = arith.constant 0 : i32
    %dma_start3A_219 = tpu.memref_slice %arg4[%add3A_217, %dma_start3A_218] : memref<12288x2048xf32, #tpu.memory_space<hbm>> -> memref<24x2048xf32, #tpu.memory_space<hbm>>
    %dma_start3A_220 = arith.constant 0 : i32
    %dma_start3A_221 = tpu.memref_slice %arg4[%add3A_217, %dma_start3A_220] : memref<12288x2048xf32, #tpu.memory_space<hbm>> -> memref<24x2048xf32, #tpu.memory_space<hbm>>
    tpu.enqueue_dma source(%arg6 : memref<24x2048xf32, #tpu.memory_space<vmem>>) target(%dma_start3A_221 : memref<24x2048xf32, #tpu.memory_space<hbm>>) target_semaphore(%arg10 : memref<!tpu.dma_semaphore, #tpu.memory_space<semaphore_mem>>)
    %dma_wait3A_222 = arith.constant 0 : i32
    %dma_wait3A_223 = tpu.memref_slice %arg4[%add3A_217, %dma_wait3A_222] : memref<12288x2048xf32, #tpu.memory_space<hbm>> -> memref<24x2048xf32, #tpu.memory_space<hbm>>
    %dma_wait3A_224 = arith.constant 0 : i32
    %dma_wait3A_225 = tpu.memref_slice %arg4[%add3A_217, %dma_wait3A_224] : memref<12288x2048xf32, #tpu.memory_space<hbm>> -> memref<24x2048xf32, #tpu.memory_space<hbm>>
    tpu.wait_dma2 semaphore(%arg10 : memref<!tpu.dma_semaphore, #tpu.memory_space<semaphore_mem>>) src(%arg6 : memref<24x2048xf32, #tpu.memory_space<vmem>>) dst(%dma_wait3A_225 : memref<24x2048xf32, #tpu.memory_space<hbm>>)
    %dma_start3A_226 = arith.constant 288 : i32
    %dma_start3A_227 = tpu.memref_slice %arg5[%dma_start3A_226] : memref<384xi32, #tpu.memory_space<vmem>> -> memref<24xi32, #tpu.memory_space<vmem>>
    %dma_start3A_228 = arith.constant 0 : i32
    %dma_start3A_229 = arith.constant 0 : i32
    %dma_start3A_230 = tpu.memref_slice %arg2[%dma_start3A_228, %dma_start3A_229] : memref<4096x2048xf32, #tpu.memory_space<hbm>> -> memref<4096x2048xf32, #tpu.memory_space<hbm>>
    tpu.enqueue_indirect_dma source(%dma_start3A_230 : memref<4096x2048xf32, #tpu.memory_space<hbm>>) target(%arg6 : memref<24x2048xf32, #tpu.memory_space<vmem>>) offsets(%dma_start3A_227 : memref<24xi32, #tpu.memory_space<vmem>>) semaphore(%arg8 : memref<!tpu.dma_semaphore, #tpu.memory_space<semaphore_mem>>)
    %dma_wait3A_231 = arith.constant 264 : i32
    %dma_wait3A_232 = tpu.memref_slice %arg5[%dma_wait3A_231] : memref<384xi32, #tpu.memory_space<vmem>> -> memref<24xi32, #tpu.memory_space<vmem>>
    %dma_wait3A_233 = arith.constant 0 : i32
    %dma_wait3A_234 = arith.constant 0 : i32
    %dma_wait3A_235 = tpu.memref_slice %arg2[%dma_wait3A_233, %dma_wait3A_234] : memref<4096x2048xf32, #tpu.memory_space<hbm>> -> memref<4096x2048xf32, #tpu.memory_space<hbm>>
    tpu.wait_indirect_dma semaphore(%arg9 : memref<!tpu.dma_semaphore, #tpu.memory_space<semaphore_mem>>) src(%dma_wait3A_235 : memref<4096x2048xf32, #tpu.memory_space<hbm>>) dst(%arg7 : memref<24x2048xf32, #tpu.memory_space<vmem>>)
    %add3A_236 = arith.constant 264 : i32
    %add3A_237 = arith.addi %mul3A_2, %add3A_236 : i32
    %dma_start3A_238 = arith.constant 0 : i32
    %dma_start3A_239 = tpu.memref_slice %arg4[%add3A_237, %dma_start3A_238] : memref<12288x2048xf32, #tpu.memory_space<hbm>> -> memref<24x2048xf32, #tpu.memory_space<hbm>>
    %dma_start3A_240 = arith.constant 0 : i32
    %dma_start3A_241 = tpu.memref_slice %arg4[%add3A_237, %dma_start3A_240] : memref<12288x2048xf32, #tpu.memory_space<hbm>> -> memref<24x2048xf32, #tpu.memory_space<hbm>>
    tpu.enqueue_dma source(%arg7 : memref<24x2048xf32, #tpu.memory_space<vmem>>) target(%dma_start3A_241 : memref<24x2048xf32, #tpu.memory_space<hbm>>) target_semaphore(%arg11 : memref<!tpu.dma_semaphore, #tpu.memory_space<semaphore_mem>>)
    %dma_wait3A_242 = arith.constant 0 : i32
    %dma_wait3A_243 = tpu.memref_slice %arg4[%add3A_237, %dma_wait3A_242] : memref<12288x2048xf32, #tpu.memory_space<hbm>> -> memref<24x2048xf32, #tpu.memory_space<hbm>>
    %dma_wait3A_244 = arith.constant 0 : i32
    %dma_wait3A_245 = tpu.memref_slice %arg4[%add3A_237, %dma_wait3A_244] : memref<12288x2048xf32, #tpu.memory_space<hbm>> -> memref<24x2048xf32, #tpu.memory_space<hbm>>
    tpu.wait_dma2 semaphore(%arg11 : memref<!tpu.dma_semaphore, #tpu.memory_space<semaphore_mem>>) src(%arg7 : memref<24x2048xf32, #tpu.memory_space<vmem>>) dst(%dma_wait3A_245 : memref<24x2048xf32, #tpu.memory_space<hbm>>)
    %dma_start3A_246 = arith.constant 312 : i32
    %dma_start3A_247 = tpu.memref_slice %arg5[%dma_start3A_246] : memref<384xi32, #tpu.memory_space<vmem>> -> memref<24xi32, #tpu.memory_space<vmem>>
    %dma_start3A_248 = arith.constant 0 : i32
    %dma_start3A_249 = arith.constant 0 : i32
    %dma_start3A_250 = tpu.memref_slice %arg2[%dma_start3A_248, %dma_start3A_249] : memref<4096x2048xf32, #tpu.memory_space<hbm>> -> memref<4096x2048xf32, #tpu.memory_space<hbm>>
    tpu.enqueue_indirect_dma source(%dma_start3A_250 : memref<4096x2048xf32, #tpu.memory_space<hbm>>) target(%arg7 : memref<24x2048xf32, #tpu.memory_space<vmem>>) offsets(%dma_start3A_247 : memref<24xi32, #tpu.memory_space<vmem>>) semaphore(%arg9 : memref<!tpu.dma_semaphore, #tpu.memory_space<semaphore_mem>>)
    %dma_wait3A_251 = arith.constant 288 : i32
    %dma_wait3A_252 = tpu.memref_slice %arg5[%dma_wait3A_251] : memref<384xi32, #tpu.memory_space<vmem>> -> memref<24xi32, #tpu.memory_space<vmem>>
    %dma_wait3A_253 = arith.constant 0 : i32
    %dma_wait3A_254 = arith.constant 0 : i32
    %dma_wait3A_255 = tpu.memref_slice %arg2[%dma_wait3A_253, %dma_wait3A_254] : memref<4096x2048xf32, #tpu.memory_space<hbm>> -> memref<4096x2048xf32, #tpu.memory_space<hbm>>
    tpu.wait_indirect_dma semaphore(%arg8 : memref<!tpu.dma_semaphore, #tpu.memory_space<semaphore_mem>>) src(%dma_wait3A_255 : memref<4096x2048xf32, #tpu.memory_space<hbm>>) dst(%arg6 : memref<24x2048xf32, #tpu.memory_space<vmem>>)
    %add3A_256 = arith.constant 288 : i32
    %add3A_257 = arith.addi %mul3A_2, %add3A_256 : i32
    %dma_start3A_258 = arith.constant 0 : i32
    %dma_start3A_259 = tpu.memref_slice %arg4[%add3A_257, %dma_start3A_258] : memref<12288x2048xf32, #tpu.memory_space<hbm>> -> memref<24x2048xf32, #tpu.memory_space<hbm>>
    %dma_start3A_260 = arith.constant 0 : i32
    %dma_start3A_261 = tpu.memref_slice %arg4[%add3A_257, %dma_start3A_260] : memref<12288x2048xf32, #tpu.memory_space<hbm>> -> memref<24x2048xf32, #tpu.memory_space<hbm>>
    tpu.enqueue_dma source(%arg6 : memref<24x2048xf32, #tpu.memory_space<vmem>>) target(%dma_start3A_261 : memref<24x2048xf32, #tpu.memory_space<hbm>>) target_semaphore(%arg10 : memref<!tpu.dma_semaphore, #tpu.memory_space<semaphore_mem>>)
    %dma_wait3A_262 = arith.constant 0 : i32
    %dma_wait3A_263 = tpu.memref_slice %arg4[%add3A_257, %dma_wait3A_262] : memref<12288x2048xf32, #tpu.memory_space<hbm>> -> memref<24x2048xf32, #tpu.memory_space<hbm>>
    %dma_wait3A_264 = arith.constant 0 : i32
    %dma_wait3A_265 = tpu.memref_slice %arg4[%add3A_257, %dma_wait3A_264] : memref<12288x2048xf32, #tpu.memory_space<hbm>> -> memref<24x2048xf32, #tpu.memory_space<hbm>>
    tpu.wait_dma2 semaphore(%arg10 : memref<!tpu.dma_semaphore, #tpu.memory_space<semaphore_mem>>) src(%arg6 : memref<24x2048xf32, #tpu.memory_space<vmem>>) dst(%dma_wait3A_265 : memref<24x2048xf32, #tpu.memory_space<hbm>>)
    %dma_start3A_266 = arith.constant 336 : i32
    %dma_start3A_267 = tpu.memref_slice %arg5[%dma_start3A_266] : memref<384xi32, #tpu.memory_space<vmem>> -> memref<24xi32, #tpu.memory_space<vmem>>
    %dma_start3A_268 = arith.constant 0 : i32
    %dma_start3A_269 = arith.constant 0 : i32
    %dma_start3A_270 = tpu.memref_slice %arg2[%dma_start3A_268, %dma_start3A_269] : memref<4096x2048xf32, #tpu.memory_space<hbm>> -> memref<4096x2048xf32, #tpu.memory_space<hbm>>
    tpu.enqueue_indirect_dma source(%dma_start3A_270 : memref<4096x2048xf32, #tpu.memory_space<hbm>>) target(%arg6 : memref<24x2048xf32, #tpu.memory_space<vmem>>) offsets(%dma_start3A_267 : memref<24xi32, #tpu.memory_space<vmem>>) semaphore(%arg8 : memref<!tpu.dma_semaphore, #tpu.memory_space<semaphore_mem>>)
    %dma_wait3A_271 = arith.constant 312 : i32
    %dma_wait3A_272 = tpu.memref_slice %arg5[%dma_wait3A_271] : memref<384xi32, #tpu.memory_space<vmem>> -> memref<24xi32, #tpu.memory_space<vmem>>
    %dma_wait3A_273 = arith.constant 0 : i32
    %dma_wait3A_274 = arith.constant 0 : i32
    %dma_wait3A_275 = tpu.memref_slice %arg2[%dma_wait3A_273, %dma_wait3A_274] : memref<4096x2048xf32, #tpu.memory_space<hbm>> -> memref<4096x2048xf32, #tpu.memory_space<hbm>>
    tpu.wait_indirect_dma semaphore(%arg9 : memref<!tpu.dma_semaphore, #tpu.memory_space<semaphore_mem>>) src(%dma_wait3A_275 : memref<4096x2048xf32, #tpu.memory_space<hbm>>) dst(%arg7 : memref<24x2048xf32, #tpu.memory_space<vmem>>)
    %add3A_276 = arith.constant 312 : i32
    %add3A_277 = arith.addi %mul3A_2, %add3A_276 : i32
    %dma_start3A_278 = arith.constant 0 : i32
    %dma_start3A_279 = tpu.memref_slice %arg4[%add3A_277, %dma_start3A_278] : memref<12288x2048xf32, #tpu.memory_space<hbm>> -> memref<24x2048xf32, #tpu.memory_space<hbm>>
    %dma_start3A_280 = arith.constant 0 : i32
    %dma_start3A_281 = tpu.memref_slice %arg4[%add3A_277, %dma_start3A_280] : memref<12288x2048xf32, #tpu.memory_space<hbm>> -> memref<24x2048xf32, #tpu.memory_space<hbm>>
    tpu.enqueue_dma source(%arg7 : memref<24x2048xf32, #tpu.memory_space<vmem>>) target(%dma_start3A_281 : memref<24x2048xf32, #tpu.memory_space<hbm>>) target_semaphore(%arg11 : memref<!tpu.dma_semaphore, #tpu.memory_space<semaphore_mem>>)
    %dma_wait3A_282 = arith.constant 0 : i32
    %dma_wait3A_283 = tpu.memref_slice %arg4[%add3A_277, %dma_wait3A_282] : memref<12288x2048xf32, #tpu.memory_space<hbm>> -> memref<24x2048xf32, #tpu.memory_space<hbm>>
    %dma_wait3A_284 = arith.constant 0 : i32
    %dma_wait3A_285 = tpu.memref_slice %arg4[%add3A_277, %dma_wait3A_284] : memref<12288x2048xf32, #tpu.memory_space<hbm>> -> memref<24x2048xf32, #tpu.memory_space<hbm>>
    tpu.wait_dma2 semaphore(%arg11 : memref<!tpu.dma_semaphore, #tpu.memory_space<semaphore_mem>>) src(%arg7 : memref<24x2048xf32, #tpu.memory_space<vmem>>) dst(%dma_wait3A_285 : memref<24x2048xf32, #tpu.memory_space<hbm>>)
    %dma_start3A_286 = arith.constant 360 : i32
    %dma_start3A_287 = tpu.memref_slice %arg5[%dma_start3A_286] : memref<384xi32, #tpu.memory_space<vmem>> -> memref<24xi32, #tpu.memory_space<vmem>>
    %dma_start3A_288 = arith.constant 0 : i32
    %dma_start3A_289 = arith.constant 0 : i32
    %dma_start3A_290 = tpu.memref_slice %arg2[%dma_start3A_288, %dma_start3A_289] : memref<4096x2048xf32, #tpu.memory_space<hbm>> -> memref<4096x2048xf32, #tpu.memory_space<hbm>>
    tpu.enqueue_indirect_dma source(%dma_start3A_290 : memref<4096x2048xf32, #tpu.memory_space<hbm>>) target(%arg7 : memref<24x2048xf32, #tpu.memory_space<vmem>>) offsets(%dma_start3A_287 : memref<24xi32, #tpu.memory_space<vmem>>) semaphore(%arg9 : memref<!tpu.dma_semaphore, #tpu.memory_space<semaphore_mem>>)
    %dma_wait3A_291 = arith.constant 336 : i32
    %dma_wait3A_292 = tpu.memref_slice %arg5[%dma_wait3A_291] : memref<384xi32, #tpu.memory_space<vmem>> -> memref<24xi32, #tpu.memory_space<vmem>>
    %dma_wait3A_293 = arith.constant 0 : i32
    %dma_wait3A_294 = arith.constant 0 : i32
    %dma_wait3A_295 = tpu.memref_slice %arg2[%dma_wait3A_293, %dma_wait3A_294] : memref<4096x2048xf32, #tpu.memory_space<hbm>> -> memref<4096x2048xf32, #tpu.memory_space<hbm>>
    tpu.wait_indirect_dma semaphore(%arg8 : memref<!tpu.dma_semaphore, #tpu.memory_space<semaphore_mem>>) src(%dma_wait3A_295 : memref<4096x2048xf32, #tpu.memory_space<hbm>>) dst(%arg6 : memref<24x2048xf32, #tpu.memory_space<vmem>>)
    %add3A_296 = arith.constant 336 : i32
    %add3A_297 = arith.addi %mul3A_2, %add3A_296 : i32
    %dma_start3A_298 = arith.constant 0 : i32
    %dma_start3A_299 = tpu.memref_slice %arg4[%add3A_297, %dma_start3A_298] : memref<12288x2048xf32, #tpu.memory_space<hbm>> -> memref<24x2048xf32, #tpu.memory_space<hbm>>
    %dma_start3A_300 = arith.constant 0 : i32
    %dma_start3A_301 = tpu.memref_slice %arg4[%add3A_297, %dma_start3A_300] : memref<12288x2048xf32, #tpu.memory_space<hbm>> -> memref<24x2048xf32, #tpu.memory_space<hbm>>
    tpu.enqueue_dma source(%arg6 : memref<24x2048xf32, #tpu.memory_space<vmem>>) target(%dma_start3A_301 : memref<24x2048xf32, #tpu.memory_space<hbm>>) target_semaphore(%arg10 : memref<!tpu.dma_semaphore, #tpu.memory_space<semaphore_mem>>)
    %dma_wait3A_302 = arith.constant 0 : i32
    %dma_wait3A_303 = tpu.memref_slice %arg4[%add3A_297, %dma_wait3A_302] : memref<12288x2048xf32, #tpu.memory_space<hbm>> -> memref<24x2048xf32, #tpu.memory_space<hbm>>
    %dma_wait3A_304 = arith.constant 0 : i32
    %dma_wait3A_305 = tpu.memref_slice %arg4[%add3A_297, %dma_wait3A_304] : memref<12288x2048xf32, #tpu.memory_space<hbm>> -> memref<24x2048xf32, #tpu.memory_space<hbm>>
    tpu.wait_dma2 semaphore(%arg10 : memref<!tpu.dma_semaphore, #tpu.memory_space<semaphore_mem>>) src(%arg6 : memref<24x2048xf32, #tpu.memory_space<vmem>>) dst(%dma_wait3A_305 : memref<24x2048xf32, #tpu.memory_space<hbm>>)
    %dma_wait3A_306 = arith.constant 360 : i32
    %dma_wait3A_307 = tpu.memref_slice %arg5[%dma_wait3A_306] : memref<384xi32, #tpu.memory_space<vmem>> -> memref<24xi32, #tpu.memory_space<vmem>>
    %dma_wait3A_308 = arith.constant 0 : i32
    %dma_wait3A_309 = arith.constant 0 : i32
    %dma_wait3A_310 = tpu.memref_slice %arg2[%dma_wait3A_308, %dma_wait3A_309] : memref<4096x2048xf32, #tpu.memory_space<hbm>> -> memref<4096x2048xf32, #tpu.memory_space<hbm>>
    tpu.wait_indirect_dma semaphore(%arg9 : memref<!tpu.dma_semaphore, #tpu.memory_space<semaphore_mem>>) src(%dma_wait3A_310 : memref<4096x2048xf32, #tpu.memory_space<hbm>>) dst(%arg7 : memref<24x2048xf32, #tpu.memory_space<vmem>>)
    %add3A_311 = arith.constant 360 : i32
    %add3A_312 = arith.addi %mul3A_2, %add3A_311 : i32
    %dma_start3A_313 = arith.constant 0 : i32
    %dma_start3A_314 = tpu.memref_slice %arg4[%add3A_312, %dma_start3A_313] : memref<12288x2048xf32, #tpu.memory_space<hbm>> -> memref<24x2048xf32, #tpu.memory_space<hbm>>
    %dma_start3A_315 = arith.constant 0 : i32
    %dma_start3A_316 = tpu.memref_slice %arg4[%add3A_312, %dma_start3A_315] : memref<12288x2048xf32, #tpu.memory_space<hbm>> -> memref<24x2048xf32, #tpu.memory_space<hbm>>
    tpu.enqueue_dma source(%arg7 : memref<24x2048xf32, #tpu.memory_space<vmem>>) target(%dma_start3A_316 : memref<24x2048xf32, #tpu.memory_space<hbm>>) target_semaphore(%arg11 : memref<!tpu.dma_semaphore, #tpu.memory_space<semaphore_mem>>)
    %dma_wait3A_317 = arith.constant 0 : i32
    %dma_wait3A_318 = tpu.memref_slice %arg4[%add3A_312, %dma_wait3A_317] : memref<12288x2048xf32, #tpu.memory_space<hbm>> -> memref<24x2048xf32, #tpu.memory_space<hbm>>
    %dma_wait3A_319 = arith.constant 0 : i32
    %dma_wait3A_320 = tpu.memref_slice %arg4[%add3A_312, %dma_wait3A_319] : memref<12288x2048xf32, #tpu.memory_space<hbm>> -> memref<24x2048xf32, #tpu.memory_space<hbm>>
    tpu.wait_dma2 semaphore(%arg11 : memref<!tpu.dma_semaphore, #tpu.memory_space<semaphore_mem>>) src(%arg7 : memref<24x2048xf32, #tpu.memory_space<vmem>>) dst(%dma_wait3A_320 : memref<24x2048xf32, #tpu.memory_space<hbm>>)
    return
  }
}

module attributes {stable_mosaic.version = 14 : i64} {
  func.func @_gating_kernel(%arg0: i32, %arg1: memref<512x2048xf32, #tpu.memory_space<vmem>>, %arg2: memref<8x2048xf32, #tpu.memory_space<vmem>>, %arg3: memref<1x8xf32, #tpu.memory_space<vmem>>, %arg4: memref<512x2xi32, #tpu.memory_space<vmem>>, %arg5: memref<512x2xf32, #tpu.memory_space<vmem>>) attributes {dimension_semantics = [#tpu.dimension_semantics<arbitrary>], iteration_bounds = array<i64: 8>, scalar_prefetch = 0 : i64, scratch_operands = 0 : i64, tpu.core_type = #tpu.core_type<tc>, window_params = [{transform_indices = @transform_0, window_bounds = array<i64: 512, 2048>}, {pipeline_mode = #tpu.pipeline_mode<synchronous>, transform_indices = @transform_1, window_bounds = array<i64: 8, 2048>}, {pipeline_mode = #tpu.pipeline_mode<synchronous>, transform_indices = @transform_2, window_bounds = array<i64: 1, 8>}, {transform_indices = @transform_3, window_bounds = array<i64: 512, 2>}, {transform_indices = @transform_4, window_bounds = array<i64: 512, 2>}]} {
    %get3A = arith.constant 0 : index
    %get3A_0 = arith.constant 0 : index
    %get3A_1 = vector.load %arg1[%get3A, %get3A_0] : memref<512x2048xf32, #tpu.memory_space<vmem>>, vector<512x2048xf32>
    %get3A_2 = arith.constant 0 : index
    %get3A_3 = arith.constant 0 : index
    %get3A_4 = vector.load %arg2[%get3A_2, %get3A_3] : memref<8x2048xf32, #tpu.memory_space<vmem>>, vector<8x2048xf32>
    %transpose3A = tpu.transpose %get3A_4, [1, 0] : vector<8x2048xf32> -> vector<2048x8xf32>
    %dot_general3A = arith.constant dense<0.000000e+00> : vector<512x8xf32>
    %dot_general3A_5 = tpu.matmul %get3A_1, %transpose3A, %dot_general3A {dimension_numbers = #tpu.dot_dimension_numbers<[1], [0], [0], [1], [0, 0, 1, 1], [], []>, transpose_lhs_hint = false} : vector<512x2048xf32>, vector<2048x8xf32>, vector<512x8xf32> -> vector<512x8xf32>
    %get3A_6 = arith.constant 0 : index
    %get3A_7 = arith.constant 0 : index
    %get3A_8 = vector.load %arg3[%get3A_6, %get3A_7] : memref<1x8xf32, #tpu.memory_space<vmem>>, vector<1x8xf32>
    %get3A_9 = vector.shape_cast %get3A_8 : vector<1x8xf32> to vector<8xf32>
    %broadcast_in_dim3A = vector.shape_cast %get3A_9 : vector<8xf32> to vector<1x8xf32>
    %add3A = vector.broadcast %broadcast_in_dim3A : vector<1x8xf32> to vector<512x8xf32>
    %add3A_10 = arith.addf %dot_general3A_5, %add3A : vector<512x8xf32>
    %iota3A = tpu.iota {dimensions = array<i32: 1>} : vector<512x8xi32>
    %argmax3A = tpu.reduce_index %add3A_10 {axis = 1 : i32, kind = #tpu.reduction_kind<arg_max>} : vector<512x8xf32> -> vector<512xi32>
    %broadcast_in_dim3A_11 = vector.shape_cast %argmax3A : vector<512xi32> to vector<512x1xi32>
    %reduce_max3A = arith.constant dense<0xFF800000> : vector<512xf32>
    %reduce_max3A_12 = vector.multi_reduction <maximumf>, %add3A_10, %reduce_max3A [1] : vector<512x8xf32> to vector<512xf32>
    %broadcast_in_dim3A_13 = vector.shape_cast %reduce_max3A_12 : vector<512xf32> to vector<512x1xf32>
    %eq3A = vector.broadcast %broadcast_in_dim3A_11 : vector<512x1xi32> to vector<512x8xi32>
    %eq3A_14 = arith.cmpi eq, %iota3A, %eq3A : vector<512x8xi32>
    %jit3A = arith.constant 0xFF800000 : f32
    %broadcast_in_dim3A_15 = vector.broadcast %jit3A : f32 to vector<512x8xf32>
    %select_n3A = arith.select %eq3A_14, %broadcast_in_dim3A_15, %add3A_10 : vector<512x8xi1>, vector<512x8xf32>
    %argmax3A_16 = tpu.reduce_index %select_n3A {axis = 1 : i32, kind = #tpu.reduction_kind<arg_max>} : vector<512x8xf32> -> vector<512xi32>
    %broadcast_in_dim3A_17 = vector.shape_cast %argmax3A_16 : vector<512xi32> to vector<512x1xi32>
    %reduce_max3A_18 = arith.constant dense<0xFF800000> : vector<512xf32>
    %reduce_max3A_19 = vector.multi_reduction <maximumf>, %select_n3A, %reduce_max3A_18 [1] : vector<512x8xf32> to vector<512xf32>
    %broadcast_in_dim3A_20 = vector.shape_cast %reduce_max3A_19 : vector<512xf32> to vector<512x1xf32>
    %sub3A = arith.subf %broadcast_in_dim3A_20, %broadcast_in_dim3A_13 : vector<512x1xf32>
    %exp3A = math.exp %sub3A : vector<512x1xf32>
    %swap3A = arith.constant 0 : index
    %swap3A_21 = arith.constant 0 : index
    %swap3A_22 = vector.load %arg4[%swap3A, %swap3A_21] : memref<512x2xi32, #tpu.memory_space<vmem>>, vector<512x1xi32>
    tpu.vector_store %arg4[%swap3A, %swap3A_21], %broadcast_in_dim3A_11 {strides = array<i32>} : memref<512x2xi32, #tpu.memory_space<vmem>>, vector<512x1xi32>,
    %swap3A_23 = arith.constant 0 : index
    %swap3A_24 = arith.constant 1 : index
    %swap3A_25 = vector.load %arg4[%swap3A_23, %swap3A_24] : memref<512x2xi32, #tpu.memory_space<vmem>>, vector<512x1xi32>
    tpu.vector_store %arg4[%swap3A_23, %swap3A_24], %broadcast_in_dim3A_17 {strides = array<i32>} : memref<512x2xi32, #tpu.memory_space<vmem>>, vector<512x1xi32>,
    %add3A_26 = arith.constant 1.000000e+00 : f32
    %add3A_27 = vector.broadcast %add3A_26 : f32 to vector<512x1xf32>
    %add3A_28 = arith.addf %add3A_27, %exp3A : vector<512x1xf32>
    %div3A = arith.constant 1.000000e+00 : f32
    %div3A_29 = vector.broadcast %div3A : f32 to vector<512x1xf32>
    %div3A_30 = arith.divf %div3A_29, %add3A_28 : vector<512x1xf32>
    %swap3A_31 = arith.constant 0 : index
    %swap3A_32 = arith.constant 0 : index
    %swap3A_33 = vector.load %arg5[%swap3A_31, %swap3A_32] : memref<512x2xf32, #tpu.memory_space<vmem>>, vector<512x1xf32>
    tpu.vector_store %arg5[%swap3A_31, %swap3A_32], %div3A_30 {strides = array<i32>} : memref<512x2xf32, #tpu.memory_space<vmem>>, vector<512x1xf32>,
    %add3A_34 = arith.constant 1.000000e+00 : f32
    %add3A_35 = vector.broadcast %add3A_34 : f32 to vector<512x1xf32>
    %add3A_36 = arith.addf %add3A_35, %exp3A : vector<512x1xf32>
    %div3A_37 = arith.divf %exp3A, %add3A_36 : vector<512x1xf32>
    %swap3A_38 = arith.constant 0 : index
    %swap3A_39 = arith.constant 1 : index
    %swap3A_40 = vector.load %arg5[%swap3A_38, %swap3A_39] : memref<512x2xf32, #tpu.memory_space<vmem>>, vector<512x1xf32>
    tpu.vector_store %arg5[%swap3A_38, %swap3A_39], %div3A_37 {strides = array<i32>} : memref<512x2xf32, #tpu.memory_space<vmem>>, vector<512x1xf32>,
    return
  }
  func.func @transform_0(%arg0: i32) -> (i32, i32) {
    %c0_i32 = arith.constant 0 : i32
    %c0_i32_0 = arith.constant 0 : i32
    return %arg0, %c0_i32 : i32, i32
  }
  func.func @transform_1(%arg0: i32) -> (i32, i32) {
    %c0_i32 = arith.constant 0 : i32
    %c0_i32_0 = arith.constant 0 : i32
    %c0_i32_1 = arith.constant 0 : i32
    return %c0_i32, %c0_i32_0 : i32, i32
  }
  func.func @transform_2(%arg0: i32) -> (i32, i32) {
    %c0_i32 = arith.constant 0 : i32
    %c0_i32_0 = arith.constant 0 : i32
    %c0_i32_1 = arith.constant 0 : i32
    return %c0_i32, %c0_i32_0 : i32, i32
  }
  func.func @transform_3(%arg0: i32) -> (i32, i32) {
    %c0_i32 = arith.constant 0 : i32
    %c0_i32_0 = arith.constant 0 : i32
    return %arg0, %c0_i32 : i32, i32
  }
  func.func @transform_4(%arg0: i32) -> (i32, i32) {
    %c0_i32 = arith.constant 0 : i32
    %c0_i32_0 = arith.constant 0 : i32
    return %arg0, %c0_i32 : i32, i32
  }
}

</mosaic_0001>

<sc_bundles>
// kernel: gather_offload_async_start
scs
__scs_entry_jumppad:
0x0: {  	(pc) =	sbr.rel $0x88, $3  }
0x1: {  	(tag) =	ssettag $0x0;
	lr =	simm.s32 $0x1  }
0x2: {  	[smem:$0x3F9E] =	sst lr;
	_ =	strace $0xD0000000  }
0x3: {  	_ = 	snop  }
0x4: {  	_ = 	snop  }
0x5: {  	_ = 	snop  }
0x6: {  	_ = 	snop  }
0x7: {  	_ = 	snop  }
__scs_overlays_trampoline_lowered:
0x8: {  	[smem:$0x3FAD] =	sst s0  }
0x9: {  	[smem:$0x3FAE] =	sst s1  }
0xa: {  	[smem:$0x3FAF] =	sst s2  }
0xb: {  	[smem:$0x3FB0] =	sst s3  }
0xc: {  	[smem:$0x3FB1] =	sst s4  }
0xd: {  	[smem:$0x3FB2] =	sst s5  }
0xe: {  	[smem:$0x3FB3] =	sst s6  }
0xf: {  	[smem:$0x3FB4] =	sst s7  }
0x10: {  	[smem:$0x3FB5] =	sst s8  }
0x11: {  	[smem:$0x3FB6] =	sst s9;
	s0 =	simm.s32 @!p0 $0x0  }
0x12: {  	s1 =	sld [smem:$0x3F9C];
	s0 =	simm.s32 @p0 $0x1  }
0x13: {  	[smem:$0x3FB7] =	sst s0;
	s0 =	simm.s32 @!p1 $0x0  }
0x14: {  	s2 =	sld [smem:$0x3F9B];
	s0 =	simm.s32 @p1 $0x1  }
0x15: {  	[smem:$0x3FB8] =	sst s0;
	s0 =	simm.s32 @!p2 $0x0  }
0x16: {  	s3 =	sld [smem:$0x3FDB];
	s0 =	simm.s32 @p2 $0x1  }
0x17: {  	s4 =	simm.s32 $0x1BF5;
	[smem:$0x3FBA] =	sst s0  }
0x18: {  	s0 =	sld [smem:$0x3F9D];
	_ =	swait.ge [sflag:s4], $0x0  }
0x19: {  	s7 =	sld [smem:$0x3F9E]  }
0x1a: {  	s8 =	sadd.s32 $0xFFFFE003, lr  }
0x1b: {  	s9 =	sadd.s32 $0xFFFFFEF7, lr;
	s5 =	simm.s32 $0xFFFFFFFF;
	p2 =	slt.u32 s8, $0xFFFFF086  }
0x1c: {  	p1 =	slt.u32 s9, $0xF7A;
	s5 =	simm.s32 @!p2 $0x0  }
0x1d: {  	s5 =	simm.s32 @p1 $0x1;
	p0 =	seq.s32 s7, s2  }
0x1e: {  	s7 =	smul.u32 @!p0 $0xF7A, s2;
	p2 =	seq.s32 @!p0 s5, $0x0  }
0x1f: {  	s9 =	smul.u32 $0xF7A, s1;
	s8 =	simm.s32 @!p0 $0x1BF5;
	p2 =	por !p2, p0  }
0x20: {  	[sflag:s8] =	ssyncset.s32 @!p0 $0xFFFFF086;
	s6 =	sadd.s32 @!p0 s3, s7;
	s7 =	simm.s32 @!p0 $0x108  }
0x21: {  	s3 =	sadd.s32 s3, s9;
	s6 =	sadd.s32 @!p0 $0x88, s6;
	s7 =	simm.s32 @p2 $0x1082  }
0x22: {  	[simem:s7], [sflag:s8] =	dma.local @!p0 [hbm:s6], $0xF7A  }
0x23: {  	s9 =	sor.u32 $0xD0000000, s2;
	s6 =	simm.s32 $0x108;
	_ =	swait.ge @!p0 [sflag:s8], $0x0  }
0x24: {  	s3 =	sadd.s32 $0x88, s3;
	s6 =	simm.s32 @!p1 $0x1082;
	[sflag:s4] =	ssyncset.s32 $0xFFFFF086  }
0x25: {  	[simem:s6], [sflag:s4] =	dma.local [hbm:s3], $0xF7A  }
0x26: {  	[smem:$0x3F9E] =	sst s1;
	(tag) =	ssettag s2;
	_ =	strace s9  }
0x27: {  	s1 =	sld [smem:$0x3FAE]  }
0x28: {  	s2 =	sld [smem:$0x3FAF]  }
0x29: {  	s4 =	sld [smem:$0x3FB1]  }
0x2a: {  	p0 =	seq.s32 s5, $0x0;
	s5 =	sld [smem:$0x3FB2]  }
0x2b: {  	s6 =	sld [smem:$0x3FB3]  }
0x2c: {  	s7 =	sld [smem:$0x3FB4]  }
0x2d: {  	s3 =	simm.s32 $0x108;
	s8 =	sld [smem:$0x3FB5]  }
0x2e: {  	s3 =	simm.s32 @!p0 $0x1082;
	s9 =	sld [smem:$0x3FB6]  }
0x2f: {  	lr =	sadd.s32 s0, s3;
	s0 =	sld [smem:$0x3FAD]  }
0x30: {  	s3 =	sld [smem:$0x3FB0]  }
0x31: {  	[smem:$0x3FB9] =	sst s10  }
0x32: {  	s10 =	sld [smem:$0x3FB7];
	_ =	sdelay $0x3  }
0x33: {  	p0 =	seq.s32 s10, $0x1;
	s10 =	sld [smem:$0x3FB9];
	_ =	sdelay $0x3  }
0x34: {  	[smem:$0x3FB9] =	sst s10  }
0x35: {  	s10 =	sld [smem:$0x3FB8];
	_ =	sdelay $0x3  }
0x36: {  	p1 =	seq.s32 s10, $0x1;
	s10 =	sld [smem:$0x3FB9];
	_ =	sdelay $0x3  }
0x37: {  	[smem:$0x3FB9] =	sst s10  }
0x38: {  	s10 =	sld [smem:$0x3FBA]  }
0x39: {  	_ = 	snop;
	(pc) =	sbr.ind lr, $3  }
0x3a: {  	_ = 	snop  }
0x3b: {  	_ = 	snop  }
0x3c: {  	p2 =	seq.s32 s10, $0x1;
	s10 =	sld [smem:$0x3FB9]  }
0x3d: {  	_ =	shalt  }
0x3e: {  	_ =	shalt  }
0x3f: {  	_ =	shalt  }
0x40: {  	_ =	shalt  }
0x41: {  	_ =	shalt  }
0x42: {  	_ =	shalt  }
0x43: {  	_ =	shalt  }
0x44: {  	_ =	shalt  }
0x45: {  	_ =	shalt  }
0x46: {  	_ =	shalt  }
0x47: {  	_ =	shalt  }
0x48: {  	_ =	shalt  }
0x49: {  	_ =	shalt  }
0x4a: {  	_ =	shalt  }
0x4b: {  	_ =	shalt  }
0x4c: {  	_ =	shalt  }
0x4d: {  	_ =	shalt  }
0x4e: {  	_ =	shalt  }
0x4f: {  	_ =	shalt  }
0x50: {  	_ =	shalt  }
0x51: {  	_ =	shalt  }
0x52: {  	_ =	shalt  }
0x53: {  	_ =	shalt  }
0x54: {  	_ =	shalt  }
0x55: {  	_ =	shalt  }
0x56: {  	_ =	shalt  }
0x57: {  	_ =	shalt  }
0x58: {  	_ =	shalt  }
0x59: {  	_ =	shalt  }
0x5a: {  	_ =	shalt  }
0x5b: {  	_ =	shalt  }
0x5c: {  	_ =	shalt  }
0x5d: {  	_ =	shalt  }
0x5e: {  	_ =	shalt  }
0x5f: {  	_ =	shalt  }
0x60: {  	_ =	shalt  }
0x61: {  	_ =	shalt  }
0x62: {  	_ =	shalt  }
0x63: {  	_ =	shalt  }
0x64: {  	_ =	shalt  }
0x65: {  	_ =	shalt  }
0x66: {  	_ =	shalt  }
0x67: {  	_ =	shalt  }
0x68: {  	_ =	shalt  }
0x69: {  	_ =	shalt  }
0x6a: {  	_ =	shalt  }
0x6b: {  	_ =	shalt  }
0x6c: {  	_ =	shalt  }
0x6d: {  	_ =	shalt  }
0x6e: {  	_ =	shalt  }
0x6f: {  	_ =	shalt  }
0x70: {  	_ =	shalt  }
0x71: {  	_ =	shalt  }
0x72: {  	_ =	shalt  }
0x73: {  	_ =	shalt  }
0x74: {  	_ =	shalt  }
0x75: {  	_ =	shalt  }
0x76: {  	_ =	shalt  }
0x77: {  	_ =	shalt  }
0x78: {  	_ =	shalt  }
0x79: {  	_ =	shalt  }
0x7a: {  	_ =	shalt  }
0x7b: {  	_ =	shalt  }
0x7c: {  	_ =	shalt  }
0x7d: {  	_ =	shalt  }
0x7e: {  	_ =	shalt  }
0x7f: {  	_ =	shalt  }
0x80: {  	_ =	shalt  }
0x81: {  	_ =	shalt  }
0x82: {  	_ =	shalt  }
0x83: {  	_ =	shalt  }
0x84: {  	_ =	shalt  }
0x85: {  	_ =	shalt  }
0x86: {  	_ =	shalt  }
0x87: {  	_ =	shalt  }
.Lfunc_end0:
.L_simem_size_0:
called_computation_lowered:
.L_overlay_start_0:
0x88: {  	s2 =	sld [smem:$0x3FD9]  }
0x89: {  	s3 =	sld [smem:$0x3FFE];
	_ =	sdelay $0x1  }
0x8a: {  	s1 =	srdreg.scid  }
0x8b: {  	s0 =	sand.u32 $0x1, s1  }
0x8c: {  	s17 =	sshll.u32 s0, $0xA;
	s2 =	sadd.s32 s3, s2  }
0x8d: {  	s2 =	sadd.s32 s2, s17  }
0x8e: {  	[smem:$0x3FC5] =	sst s2  }
0x8f: {  	_ = 	snop  }
0x90: {  	s2 =	sld [smem:$0x3FD0];
	(tm) =	ssettm $0x1  }
0x91: {  	s18 =	sld [smem:$0x3FFB];
	_ =	sdelay $0x3  }
0x92: {  	_ =	strace s18  }
0x93: {  	s3 =	sld [smem:$0x3FFC];
	_ =	sdelay $0x3  }
0x94: {  	_ =	strace s3  }
0x95: {  	s3 =	sld [smem:$0x3FFD];
	_ =	sdelay $0x3  }
0x96: {  	_ =	strace s3  }
0x97: {  	_ =	strace $0x8FFFFFFF  }
0x98: {  	s19 =	sld [smem:$0x3FDB];
	_ =	sdelay $0x1  }
0x99: {  	s4 =	simm.s32 $_scs_section_size  }
0x9a: {  	s5 =	simm.s32 $_size__tile_overlayer_lowered;
	s6 =	simm.s32 $_tile_overlayer_lowered  }
0x9b: {  	s22 =	simm.s32 $0x1BFF;
	s21 =	sshll.u32 s6, $0x1;
	s3 =	sadd.s32 s4, s19  }
0x9c: {  	s7 =	simm.s32 $0x0;
	s20 =	sshll.u32 s5, $0x1;
	s5 =	sadd.s32 s21, s3  }
0x9d: {  	[timem:s7], [sflag:s22] =	dma.local [hbm:s5], s20  }
0x9e: {  	_ =	swait.ge [sflag:s22], s20  }
0x9f: {  	s4 =	ssub.s32 $0x0, s20;
	[sflag:s22] =	ssyncset.done $0x0  }
0xa0: {  	[sflag:s22] =	ssyncadd.s32 s4;
	_ =	sdelay $0x1  }
0xa1: {  	s23 =	simm.s32 $0x1B8B  }
0xa2: {  	_ =	swait.ge [sflag:s23], $0x1  }
0xa3: {  	[sflag:s23] =	ssyncset.done $0x0  }
0xa4: {  	s25 =	simm.s32 $0x1B8E;
	s24 =	sld [smem:$0x3FFE];
	[sflag:s23] =	ssyncadd.s32 $0xFFFFFFFF  }
0xa5: {  	s26 =	simm.s32 $execute0_lowered;
	[smem:$0x3FD2] =	sst s25  }
0xa6: {  	s5 =	sshll.u32 s26, $0x1;
	_ =	strace $0x80000046;
	[dreg:$0x1] =	wrdreg $0xFFFFFFFF  }
0xa7: {  	s28 =	simm.s32 $_size_execute0_lowered;
	s3 =	sadd.s32 s3, s5;
	[dreg:$0x0] =	wrdreg $0x0  }
0xa8: {  	s5 =	sshll.u32 s28, $0x1;
	[dreg:$0x2] =	wrdreg s3  }
0xa9: {  	[dreg:$0x3] =	wrdreg s5  }
0xaa: {  	[dreg:$0x4] =	wrdreg $0xC0  }
0xab: {  	_ =	task [dreg:s7], $0x5FFFF  }
0xac: {  	[dreg:$0x1] =	wrdreg $0xFFFFFFFF  }
0xad: {  	[dreg:$0x0] =	wrdreg $0x60  }
0xae: {  	[dreg:$0x2] =	wrdreg s2  }
0xaf: {  	[dreg:$0x3] =	wrdreg s24  }
0xb0: {  	[dreg:$0x4] =	wrdreg $0x9  }
0xb1: {  	_ =	task.clear_ibuf [dreg:s7], $0x5FFFF;
	_ =	strace $0x90000046  }
0xb2: {  	s29 =	simm.s32 $0x9;
	_ =	strace $0x80000048  }
0xb3: {  	_ =	swait.ge [sflag:s29], $0x1  }
0xb4: {  	[sflag:s29] =	ssyncadd.s32 $0xFFFFFFFF  }
0xb5: {  	_ =	strace $0x90000048  }
0xb6: {  	_ =	sfence  }
0xb7: {  	s30 =	sld [smem:$0x0];
	_ =	sdelay $0x2  }
0xb8: {  	s31 =	sshll.u32 s1, $0xD;
	s1 =	sshrl.u32 s1, $0x2  }
0xb9: {  	s3 =	sand.u32 $0x4000, s31;
	s1 =	sadd.s32 s1, s30  }
0xba: {  	s0 =	sor.u32 s3, s0;
	s1 =	sshll.u32 s1, $0x11  }
0xbb: {  	s0 =	sor.u32 s1, s0  }
0xbc: {  	s0 =	sadd.s32 $0x8F2B, s0  }
0xbd: {  	[sflag:s0] =	ssyncadd.remote.s32 $0x1  }
0xbe: {  	_ =	sfence.sel $0xFFFF  }
0xbf: {  	[dreg:$0x0] =	wrdreg $0xFFFFFFFF;
	(pc) =	sbr.abs _section_cstart, $3  }
0xc0: {  	[dreg:$0x1] =	wrdreg $0xFFFFFFFF  }
0xc1: {  	_ =	task.clear_ibuf [dreg:s7], $0x2FFFF;
	_ =	strace $0x9FFFFFFF  }
0xc2: {  	(tm) =	ssettm $0x7FFFFFFF  }
0xc3: {  	_ =	shalt  }
tec
execute0_lowered:
.L_overlay_start_1:
0x0: {  	(tag) =	ssettag $0x1  }
0x1: {  	s1 =	srdreg.scid;
	s2 =	rddreg [dreg:$0x0]  }
0x2: {  	s0 =	stileid.u32;
	s5 =	rddreg [dreg:$0x1];
	s6 =	simm.s32 $0x1  }
0x3: {  	s9 =	simm.s32 $0x1;
	s10 =	simm.s32 $0x3;
	s1 =	sshll.u32 s1, $0x7  }
0x4: {  	s13 =	simm.s32 $0x0;
	s3 =	sshll.u32 s0, $0x8;
	s4 =	sand.u32 $0x80, s1  }
0x5: {  	s12 =	simm.s32 $0x0;
	s1 =	rddreg [dreg:$0x2];
	s3 =	sor.u32 s3, s4  }
0x6: {  	_ =	strace $0x80000047;
	s4 =	sadd.s32 $0x10000, s5;
	s8 =	ssub.s32 $0x2000, s3  }
.Ltmp0:
0x7: {  	s5 =	sadd.s32 $0x10600, s5;
	s7 =	sand.u32 $0xF80, s8;
	(pc) =	sbr.rel .LBB2_1-.Ltmp0, $4  }
0x8: {  	[sflag:s6] =	ssyncpa.u1 $0x0;
	s11 =	smov.u32 s3;
	p0 =	sne.s32 s7, $0x0  }
0x9: {  	s8 =	sshrl.u32 s8, $0xC;
	s7 =	simm.s32 $0x2;
	s9 =	simm.s32 @!p0 $0x0  }
0xa: {  	[sflag:s7] =	ssyncpa.u1 $0x0;
	p0 =	por $0x0, $0x0;
	s8 =	sadd.s32 s9, s8  }
0xb: {  	vm0 =	vmmov $0xffff;
	[sflag:s10] =	ssyncpa.u1 $0x0;
	s10 =	simm.s32 $0x0;
	s9 =	sadd.s32 $0x1, s8  }
.LBB2_4:
0xc: {  	v5 =	vshrl.u32 v1, $0xD;
	v6 =	vshll.u32 v1, $0x7  }
0xd: {  	vm1 =	veq.s32 v1, $0x80000000;
	v58 =	vand.u32 $0x7, v5;
	v59 =	vand.u32 $0xFFF80, v6  }
0xe: {  	v1 =	vsel vm1, $0xFFFFFFFF, v58;
	v5 =	vsel vm1, $0xFFFFFF80, v59  }
0xf: {  	v3 =	vor.u32 v4, v3;
	v60 =	vand.u32 $0xFFFFFC00, v5;
	v61 =	vand.u32 $0xFFFFFC00, v1  }
0x10: {  	v2 =	vor.u32 v2, v3;
	v63 =	vand.u32 $0x380, v5;
	v62 =	vadd.s32 v61, v60  }
0x11: {  	v1 =	vand.u32 $0x7F, v1;
	v3 =	vor.u32 v63, v62  }
0x12: {  	v1 =	vor.u32 v1, v3  }
0x13: {  	[tilespmem:s15], [sflag:$0x1] =	stream.indirect_vreg.gather [hbm4b:s2+s10], $0x1, v0, vm0, $0x4038;
	[tilespmem:$0x200] =	vst v63  }
0x14: {  	(ifvalue) =	ssetifvalue $0x7FFFFFFF  }
0x15: {  	[tilespmem:s16], [sflag:$0x1] =	stream.indirect_vreg.gather [hbm4b:s2+s10], $0x1, v2, vm0, $0x4038;
	[tilespmem:$0x200] =	vst v63  }
0x16: {  	s29 =	sadd.s32 $0x10, s16;
	(ifvalue) =	ssetifvalue $0x7FFFFFFF  }
0x17: {  	[tilespmem:s29], [sflag:$0x1] =	stream.indirect_vreg.gather [hbm4b:s2+s10], $0x1, v1, vm0, $0x4038;
	[tilespmem:$0x200] =	vst v63  }
0x18: {  	_ =	swait.ge [sflag:s6], $0x80  }
0x19: {  	s30 =	sshrl.u32 s13, $0x3;
	[sflag:s6] =	ssyncset.done $0x0  }
0x1a: {  	s31 =	sand.u32 $0x7, s13;
	s15 =	sadd.s32 s5, s30;
	[sflag:s6] =	ssyncadd.s32 $0xFFFFFF80  }
0x1b: {  	[hbm4b:s15+s31] =	stream.linear.scatter [tilespmem:s14], [sflag:$0x3], $0x80, $0x38;
	[tilespmem:$0x200] =	vst v63  }
.LBB2_5:
0x1c: {  	s15 =	sadd.s32 $0x1000, s11  }
0x1d: {  	p2 =	sgt.s32 s15, $0x1FFF  }
0x1e: {  	s15 =	smov.u32 @p2 s3;
	p2 =	sne.s32 s12, s9  }
.Ltmp1:
0x1f: {  	p1 =	slt.u32 s12, $0x2;
	(pc) =	sbr.rel @!p2 .LBB2_6-.Ltmp1, $4  }
0x20: {  	s14 =	simm.s32 @!p1 $0x3  }
0x21: {  	s16 =	sadd.s32 $0x1, s12;
	_ =	swait.ge @!p1 [sflag:s14], $0x80  }
0x22: {  	s13 =	smov.u32 s11;
	p0 =	por !p0, !p0;
	[sflag:s14] =	ssyncset.done @!p1 $0x0  }
0x23: {  	s12 =	smov.u32 s16;
	s11 =	smov.u32 s15;
	[sflag:s14] =	ssyncadd.s32 @!p1 $0xFFFFFF80  }
.LBB2_1:
0x24: {  	p1 =	sge.u32 s12, s8  }
0x25: {  	s14 =	sxor.u32 @!p1 $0xFFFFFFFF, s12  }
0x26: {  	s31 =	sadd.s32 $0xFFFFFFFF, s12;
	s15 =	sshrl.u32 @!p1 s11, $0x3;
	s14 =	sshll.u32 @!p1 s14, $0x7  }
0x27: {  	s16 =	sand.u32 @!p1 $0x7, s11;
	s15 =	sadd.s32 @!p1 s4, s15;
	s14 =	sand.u32 @!p1 $0x80, s14  }
0x28: {  	[tilespmem:s14], [sflag:$0x2] =	stream.linear.gather @!p1 [hbm4b:s15+s16], $0x80, $0x38;
	[tilespmem:$0x200] =	vst v63  }
0x29: {  	p1 =	sge.u32 s31, s8  }
.Ltmp2:
0x2a: {  	_ = 	snop;
	(pc) =	sbr.rel @p1 .LBB2_5-.Ltmp2, $1  }
0x2b: {  	_ =	sdelay $0x3  }
0x2c: {  	s14 =	simm.s32 $0x1  }
0x2d: {  	_ =	swait.ge [sflag:s7], $0x80;
	s14 =	simm.s32 @!p0 $0x0  }
0x2e: {  	[sflag:s7] =	ssyncset.done $0x0;
	s14 =	sshll.u32 s14, $0x7  }
0x2f: {  	[sflag:s7] =	ssyncadd.s32 $0xFFFFFF80;
	(ifvalue) =	ssetifvalue $0x7FFFFFFF;
	v0 =	vld.msk [tilespmem:s14+$0x0 ss:$0x1], $0xffff;
	_ =	sdelay $0x4  }
0x30: {  	s15 =	sadd.s32 $0x10, s14;
	v2 =	vshrl.u32 v0, $0xD;
	v3 =	vshll.u32 v0, $0x7  }
0x31: {  	v1 =	vld.msk [tilespmem:s15+$0x0 ss:$0x1], $0xffff;
	vm1 =	veq.s32 v0, $0x80000000;
	v0 =	vand.u32 $0x7, v2;
	v2 =	vand.u32 $0xFFF80, v3  }
0x32: {  	v0 =	vsel vm1, $0xFFFFFFFF, v0;
	v2 =	vsel vm1, $0xFFFFFF80, v2  }
0x33: {  	v3 =	vand.u32 $0xFFFFFC00, v2;
	v4 =	vand.u32 $0xFFFFFC00, v0  }
0x34: {  	v2 =	vand.u32 $0x380, v2;
	v3 =	vadd.s32 v4, v3  }
0x35: {  	v0 =	vand.u32 $0x7F, v0;
	v2 =	vor.u32 v2, v3  }
0x36: {  	v5 =	vshll.u32 v1, $0x7;
	v4 =	vshrl.u32 v1, $0xD;
	v0 =	vor.u32 v0, v2  }
0x37: {  	s16 =	sshll.u32 s12, $0x7;
	vm1 =	veq.s32 v1, $0x80000000;
	v1 =	vand.u32 $0x7, v4;
	v4 =	vand.u32 $0xFFF80, v5  }
0x38: {  	s16 =	sand.u32 $0x80, s16;
	s18 =	sadd.s32 $0x10, s15;
	v3 =	vsel vm1, $0xFFFFFFFF, v1;
	v4 =	vsel vm1, $0xFFFFFF80, v4  }
0x39: {  	s17 =	simm.s32 $0x20;
	s15 =	sor.u32 $0x100, s14;
	s14 =	sor.u32 $0x100, s16;
	v1 =	vld.msk [tilespmem:s18+$0x0 ss:$0x1], $0xffff;
	v5 =	vand.u32 $0xFFFFFC00, v4;
	v6 =	vand.u32 $0xFFFFFC00, v3  }
0x3a: {  	s16 =	sadd.s32 $0x10, s15;
	s18 =	sadd.s32 $0x10, s18;
	(ifvalue) =	ssetifvalue $0x7FFFFFFF;
	v2 =	vand.u32 $0x7F, v3;
	v4 =	vand.u32 $0x380, v4;
	v3 =	vadd.s32 v6, v5  }
.LBB2_3:
0x3b: {  	[tilespmem:s15], [sflag:$0x1] =	stream.indirect_vreg.gather [hbm4b:s2+s10], $0x1, v0, vm0, $0x4038;
	[tilespmem:$0x200] =	vst v63  }
0x3c: {  	s17 =	sadd.s32 $0x10, s17  }
0x3d: {  	v3 =	vor.u32 v4, v3;
	p1 =	slt.u32 s17, $0x70  }
.Ltmp3:
0x3e: {  	v4 =	vshrl.u32 v1, $0xD;
	v5 =	vshll.u32 v1, $0x7;
	s15 =	smov.u32 s16;
	v0 =	vor.u32 v2, v3;
	v2 =	vmovc v1;
	v1 =	vld.msk [tilespmem:s18+$0x0 ss:$0x1], $0xffff;
	(pc) =	sbr.rel @p1 .LBB2_3-.Ltmp3, $4  }
0x3f: {  	v3 =	vand.u32 $0xFFF80, v5;
	vm1 =	veq.s32 v2, $0x80000000;
	v2 =	vand.u32 $0x7, v4  }
0x40: {  	v4 =	vsel vm1, $0xFFFFFFFF, v2;
	v5 =	vsel vm1, $0xFFFFFF80, v3  }
0x41: {  	v2 =	vand.u32 $0x7F, v4;
	v3 =	vand.u32 $0xFFFFFC00, v5;
	v4 =	vand.u32 $0xFFFFFC00, v4  }
0x42: {  	s16 =	sadd.s32 $0x10, s16;
	s18 =	sadd.s32 $0x10, s18;
	v3 =	vadd.s32 v4, v3;
	v4 =	vand.u32 $0x380, v5;
	(ifvalue) =	ssetifvalue $0x7FFFFFFF  }
.Ltmp4:
0x43: {  	_ = 	snop;
	(pc) =	sbr.rel .LBB2_4-.Ltmp4, $1  }
0x44: {  	_ =	sdelay $0x3  }
.LBB2_6:
0x45: {  	_ =	sfence.sel $0x180000  }
0x46: {  	s2 =	simm.s32 $0x2;
	[bflag:$0x0] =	sbarrier.arrive $0xFFFF  }
0x47: {  	s30 =	simm.s32 $0x3;
	[sflag:s2] =	ssyncpa.u1 $0x1  }
0x48: {  	s31 =	simm.s32 $0x1;
	[sflag:s30] =	ssyncpa.u1 $0x1  }
0x49: {  	[sflag:s31] =	ssyncpa.u1 $0x1  }
0x4a: {  	p0 =	sne.s32 s0, $0x0;
	_ =	strace $0x90000047  }
0x4b: {  	s0 =	sadd.s32 @!p0 $0x100000, s1;
	[bflag:$0x2] =	sbarrier.arrive $0xFFFF  }
0x4c: {  	[sflag:s0] =	ssyncadd.tile.s32 @!p0 $0x1;
	_ =	shalt  }
.Lfunc_end2:
_tile_overlayer_lowered:
.L_overlay_start_2:
0x4d: {  	(tag) =	ssettag $0x2  }
0x4e: {  	s0 =	rddreg [dreg:$0x0];
	s2 =	stileid.u32  }
0x4f: {  	s1 =	rddreg [dreg:$0x1];
	p0 =	sne.s32 s2, $0x0  }
0x50: {  	s3 =	rddreg [dreg:$0x2];
	[bflag:$0x3] =	sbarrier.arrive $0xFFFF;
	s2 =	simm.s32 @!p0 $0x1C01  }
0x51: {  	[timem:s3], [sflag:s2] =	dma.local @!p0 [hbm:s0], s1  }
0x52: {  	s0 =	simm.s32 @!p0 $0x1  }
0x53: {  	_ =	swait.ge @!p0 [sflag:s0], s1  }
0x54: {  	s1 =	ssub.s32 @!p0 $0x0, s1;
	[sflag:s0] =	ssyncset.done @!p0 $0x0  }
0x55: {  	[sflag:s0] =	ssyncadd.s32 @!p0 s1  }
0x56: {  	[bflag:$0x3] =	sbarrier.arrive $0xFFFF  }
0x57: {  	_ =	shalt  }

// kernel: kernel.4.cloned.1.call-start
scs
__scs_entry_jumppad:
0x0: {  	(pc) =	sbr.rel $0x88, $3  }
0x1: {  	(tag) =	ssettag $0x0;
	lr =	simm.s32 $0x1  }
0x2: {  	[smem:$0x3F9E] =	sst lr;
	_ =	strace $0xD0000000  }
0x3: {  	_ = 	snop  }
0x4: {  	_ = 	snop  }
0x5: {  	_ = 	snop  }
0x6: {  	_ = 	snop  }
0x7: {  	_ = 	snop  }
__scs_overlays_trampoline_lowered:
0x8: {  	[smem:$0x3FAD] =	sst s0  }
0x9: {  	[smem:$0x3FAE] =	sst s1  }
0xa: {  	[smem:$0x3FAF] =	sst s2  }
0xb: {  	[smem:$0x3FB0] =	sst s3  }
0xc: {  	[smem:$0x3FB1] =	sst s4  }
0xd: {  	[smem:$0x3FB2] =	sst s5  }
0xe: {  	[smem:$0x3FB3] =	sst s6  }
0xf: {  	[smem:$0x3FB4] =	sst s7  }
0x10: {  	[smem:$0x3FB5] =	sst s8  }
0x11: {  	[smem:$0x3FB6] =	sst s9;
	s0 =	simm.s32 @!p0 $0x0  }
0x12: {  	s1 =	sld [smem:$0x3F9C];
	s0 =	simm.s32 @p0 $0x1  }
0x13: {  	[smem:$0x3FB7] =	sst s0;
	s0 =	simm.s32 @!p1 $0x0  }
0x14: {  	s2 =	sld [smem:$0x3F9B];
	s0 =	simm.s32 @p1 $0x1  }
0x15: {  	[smem:$0x3FB8] =	sst s0;
	s0 =	simm.s32 @!p2 $0x0  }
0x16: {  	s3 =	sld [smem:$0x3FDB];
	s0 =	simm.s32 @p2 $0x1  }
0x17: {  	s4 =	simm.s32 $0x1BF5;
	[smem:$0x3FBA] =	sst s0  }
0x18: {  	s0 =	sld [smem:$0x3F9D];
	_ =	swait.ge [sflag:s4], $0x0  }
0x19: {  	s7 =	sld [smem:$0x3F9E]  }
0x1a: {  	s8 =	sadd.s32 $0xFFFFE003, lr  }
0x1b: {  	s9 =	sadd.s32 $0xFFFFFEF7, lr;
	s5 =	simm.s32 $0xFFFFFFFF;
	p2 =	slt.u32 s8, $0xFFFFF086  }
0x1c: {  	p1 =	slt.u32 s9, $0xF7A;
	s5 =	simm.s32 @!p2 $0x0  }
0x1d: {  	s5 =	simm.s32 @p1 $0x1;
	p0 =	seq.s32 s7, s2  }
0x1e: {  	s7 =	smul.u32 @!p0 $0xF7A, s2;
	p2 =	seq.s32 @!p0 s5, $0x0  }
0x1f: {  	s9 =	smul.u32 $0xF7A, s1;
	s8 =	simm.s32 @!p0 $0x1BF5;
	p2 =	por !p2, p0  }
0x20: {  	[sflag:s8] =	ssyncset.s32 @!p0 $0xFFFFF086;
	s6 =	sadd.s32 @!p0 s3, s7;
	s7 =	simm.s32 @!p0 $0x108  }
0x21: {  	s3 =	sadd.s32 s3, s9;
	s6 =	sadd.s32 @!p0 $0x88, s6;
	s7 =	simm.s32 @p2 $0x1082  }
0x22: {  	[simem:s7], [sflag:s8] =	dma.local @!p0 [hbm:s6], $0xF7A  }
0x23: {  	s9 =	sor.u32 $0xD0000000, s2;
	s6 =	simm.s32 $0x108;
	_ =	swait.ge @!p0 [sflag:s8], $0x0  }
0x24: {  	s3 =	sadd.s32 $0x88, s3;
	s6 =	simm.s32 @!p1 $0x1082;
	[sflag:s4] =	ssyncset.s32 $0xFFFFF086  }
0x25: {  	[simem:s6], [sflag:s4] =	dma.local [hbm:s3], $0xF7A  }
0x26: {  	[smem:$0x3F9E] =	sst s1;
	(tag) =	ssettag s2;
	_ =	strace s9  }
0x27: {  	s1 =	sld [smem:$0x3FAE]  }
0x28: {  	s2 =	sld [smem:$0x3FAF]  }
0x29: {  	s4 =	sld [smem:$0x3FB1]  }
0x2a: {  	p0 =	seq.s32 s5, $0x0;
	s5 =	sld [smem:$0x3FB2]  }
0x2b: {  	s6 =	sld [smem:$0x3FB3]  }
0x2c: {  	s7 =	sld [smem:$0x3FB4]  }
0x2d: {  	s3 =	simm.s32 $0x108;
	s8 =	sld [smem:$0x3FB5]  }
0x2e: {  	s3 =	simm.s32 @!p0 $0x1082;
	s9 =	sld [smem:$0x3FB6]  }
0x2f: {  	lr =	sadd.s32 s0, s3;
	s0 =	sld [smem:$0x3FAD]  }
0x30: {  	s3 =	sld [smem:$0x3FB0]  }
0x31: {  	[smem:$0x3FB9] =	sst s10  }
0x32: {  	s10 =	sld [smem:$0x3FB7];
	_ =	sdelay $0x3  }
0x33: {  	p0 =	seq.s32 s10, $0x1;
	s10 =	sld [smem:$0x3FB9];
	_ =	sdelay $0x3  }
0x34: {  	[smem:$0x3FB9] =	sst s10  }
0x35: {  	s10 =	sld [smem:$0x3FB8];
	_ =	sdelay $0x3  }
0x36: {  	p1 =	seq.s32 s10, $0x1;
	s10 =	sld [smem:$0x3FB9];
	_ =	sdelay $0x3  }
0x37: {  	[smem:$0x3FB9] =	sst s10  }
0x38: {  	s10 =	sld [smem:$0x3FBA]  }
0x39: {  	_ = 	snop;
	(pc) =	sbr.ind lr, $3  }
0x3a: {  	_ = 	snop  }
0x3b: {  	_ = 	snop  }
0x3c: {  	p2 =	seq.s32 s10, $0x1;
	s10 =	sld [smem:$0x3FB9]  }
0x3d: {  	_ =	shalt  }
0x3e: {  	_ =	shalt  }
0x3f: {  	_ =	shalt  }
0x40: {  	_ =	shalt  }
0x41: {  	_ =	shalt  }
0x42: {  	_ =	shalt  }
0x43: {  	_ =	shalt  }
0x44: {  	_ =	shalt  }
0x45: {  	_ =	shalt  }
0x46: {  	_ =	shalt  }
0x47: {  	_ =	shalt  }
0x48: {  	_ =	shalt  }
0x49: {  	_ =	shalt  }
0x4a: {  	_ =	shalt  }
0x4b: {  	_ =	shalt  }
0x4c: {  	_ =	shalt  }
0x4d: {  	_ =	shalt  }
0x4e: {  	_ =	shalt  }
0x4f: {  	_ =	shalt  }
0x50: {  	_ =	shalt  }
0x51: {  	_ =	shalt  }
0x52: {  	_ =	shalt  }
0x53: {  	_ =	shalt  }
0x54: {  	_ =	shalt  }
0x55: {  	_ =	shalt  }
0x56: {  	_ =	shalt  }
0x57: {  	_ =	shalt  }
0x58: {  	_ =	shalt  }
0x59: {  	_ =	shalt  }
0x5a: {  	_ =	shalt  }
0x5b: {  	_ =	shalt  }
0x5c: {  	_ =	shalt  }
0x5d: {  	_ =	shalt  }
0x5e: {  	_ =	shalt  }
0x5f: {  	_ =	shalt  }
0x60: {  	_ =	shalt  }
0x61: {  	_ =	shalt  }
0x62: {  	_ =	shalt  }
0x63: {  	_ =	shalt  }
0x64: {  	_ =	shalt  }
0x65: {  	_ =	shalt  }
0x66: {  	_ =	shalt  }
0x67: {  	_ =	shalt  }
0x68: {  	_ =	shalt  }
0x69: {  	_ =	shalt  }
0x6a: {  	_ =	shalt  }
0x6b: {  	_ =	shalt  }
0x6c: {  	_ =	shalt  }
0x6d: {  	_ =	shalt  }
0x6e: {  	_ =	shalt  }
0x6f: {  	_ =	shalt  }
0x70: {  	_ =	shalt  }
0x71: {  	_ =	shalt  }
0x72: {  	_ =	shalt  }
0x73: {  	_ =	shalt  }
0x74: {  	_ =	shalt  }
0x75: {  	_ =	shalt  }
0x76: {  	_ =	shalt  }
0x77: {  	_ =	shalt  }
0x78: {  	_ =	shalt  }
0x79: {  	_ =	shalt  }
0x7a: {  	_ =	shalt  }
0x7b: {  	_ =	shalt  }
0x7c: {  	_ =	shalt  }
0x7d: {  	_ =	shalt  }
0x7e: {  	_ =	shalt  }
0x7f: {  	_ =	shalt  }
0x80: {  	_ =	shalt  }
0x81: {  	_ =	shalt  }
0x82: {  	_ =	shalt  }
0x83: {  	_ =	shalt  }
0x84: {  	_ =	shalt  }
0x85: {  	_ =	shalt  }
0x86: {  	_ =	shalt  }
0x87: {  	_ =	shalt  }
.Lfunc_end0:
.L_simem_size_0:
called_computation.1_lowered:
.L_overlay_start_0:
0x88: {  	s2 =	sld [smem:$0x3FD9]  }
0x89: {  	s3 =	sld [smem:$0x3FFE];
	_ =	sdelay $0x1  }
0x8a: {  	s1 =	srdreg.scid  }
0x8b: {  	s0 =	sand.u32 $0x1, s1  }
0x8c: {  	s17 =	sshll.u32 s0, $0xA;
	s2 =	sadd.s32 s3, s2  }
0x8d: {  	s2 =	sadd.s32 s2, s17  }
0x8e: {  	[smem:$0x3FC5] =	sst s2  }
0x8f: {  	_ = 	snop  }
0x90: {  	s2 =	sld [smem:$0x3FC9]  }
0x91: {  	s18 =	sld [smem:$0x3FD0];
	(tm) =	ssettm $0x1  }
0x92: {  	s4 =	sld [smem:$0x3FFB];
	_ =	sdelay $0x3  }
0x93: {  	_ =	strace s4  }
0x94: {  	s4 =	sld [smem:$0x3FFC];
	_ =	sdelay $0x3  }
0x95: {  	_ =	strace s4  }
0x96: {  	s4 =	sld [smem:$0x3FFD];
	_ =	sdelay $0x3  }
0x97: {  	_ =	strace s4  }
0x98: {  	_ =	strace $0x8FFFFFFF  }
0x99: {  	s19 =	sld [smem:$0x3FDB];
	_ =	sdelay $0x1  }
0x9a: {  	s5 =	simm.s32 $_scs_section_size  }
0x9b: {  	s6 =	simm.s32 $_size__tile_overlayer_lowered;
	s7 =	simm.s32 $_tile_overlayer_lowered  }
0x9c: {  	s22 =	simm.s32 $0x1BFF;
	s21 =	sshll.u32 s7, $0x1;
	s4 =	sadd.s32 s5, s19  }
0x9d: {  	s8 =	simm.s32 $0x0;
	s20 =	sshll.u32 s6, $0x1;
	s6 =	sadd.s32 s21, s4  }
0x9e: {  	[timem:s8], [sflag:s22] =	dma.local [hbm:s6], s20  }
0x9f: {  	_ =	swait.ge [sflag:s22], s20  }
0xa0: {  	s5 =	ssub.s32 $0x0, s20;
	[sflag:s22] =	ssyncset.done $0x0  }
0xa1: {  	[sflag:s22] =	ssyncadd.s32 s5;
	_ =	sdelay $0x1  }
0xa2: {  	s23 =	simm.s32 $0x1B8B  }
0xa3: {  	_ =	swait.ge [sflag:s23], $0x1  }
0xa4: {  	[sflag:s23] =	ssyncset.done $0x0  }
0xa5: {  	s25 =	simm.s32 $0x1B8E;
	s24 =	sld [smem:$0x3FFE];
	[sflag:s23] =	ssyncadd.s32 $0xFFFFFFFF  }
0xa6: {  	s26 =	simm.s32 $execute0_lowered;
	[smem:$0x3FD2] =	sst s25  }
0xa7: {  	s6 =	sshll.u32 s26, $0x1;
	_ =	strace $0x80000049;
	[dreg:$0x1] =	wrdreg $0xFFFFFFFF  }
0xa8: {  	s28 =	simm.s32 $_size_execute0_lowered;
	s4 =	sadd.s32 s4, s6;
	[dreg:$0x0] =	wrdreg $0x0  }
0xa9: {  	s6 =	sshll.u32 s28, $0x1;
	[dreg:$0x2] =	wrdreg s4  }
0xaa: {  	[dreg:$0x3] =	wrdreg s6  }
0xab: {  	[dreg:$0x4] =	wrdreg $0xC0  }
0xac: {  	_ =	task [dreg:s8], $0x5FFFF  }
0xad: {  	[dreg:$0x1] =	wrdreg $0xFFFFFFFF  }
0xae: {  	[dreg:$0x0] =	wrdreg $0x60  }
0xaf: {  	[dreg:$0x2] =	wrdreg s2  }
0xb0: {  	[dreg:$0x3] =	wrdreg s18  }
0xb1: {  	[dreg:$0x4] =	wrdreg s24  }
0xb2: {  	[dreg:$0x5] =	wrdreg $0x9  }
0xb3: {  	_ =	task.clear_ibuf [dreg:s8], $0x6FFFF;
	_ =	strace $0x90000049  }
0xb4: {  	s29 =	simm.s32 $0x9;
	_ =	strace $0x8000004B  }
0xb5: {  	_ =	swait.ge [sflag:s29], $0x1  }
0xb6: {  	[sflag:s29] =	ssyncadd.s32 $0xFFFFFFFF  }
0xb7: {  	_ =	strace $0x9000004B  }
0xb8: {  	_ =	sfence  }
0xb9: {  	s30 =	sld [smem:$0x0];
	_ =	sdelay $0x2  }
0xba: {  	s31 =	sshll.u32 s1, $0xD;
	s1 =	sshrl.u32 s1, $0x2  }
0xbb: {  	s3 =	sand.u32 $0x4000, s31;
	s1 =	sadd.s32 s1, s30  }
0xbc: {  	s0 =	sor.u32 s3, s0;
	s1 =	sshll.u32 s1, $0x11  }
0xbd: {  	s0 =	sor.u32 s1, s0  }
0xbe: {  	s0 =	sadd.s32 $0x8F2B, s0  }
0xbf: {  	[sflag:s0] =	ssyncadd.remote.s32 $0x1  }
0xc0: {  	_ =	sfence.sel $0xFFFF  }
0xc1: {  	[dreg:$0x0] =	wrdreg $0xFFFFFFFF;
	(pc) =	sbr.abs _section_cstart, $3  }
0xc2: {  	[dreg:$0x1] =	wrdreg $0xFFFFFFFF  }
0xc3: {  	_ =	task.clear_ibuf [dreg:s8], $0x2FFFF;
	_ =	strace $0x9FFFFFFF  }
0xc4: {  	(tm) =	ssettm $0x7FFFFFFF  }
0xc5: {  	_ =	shalt  }
tec
execute0_lowered:
.L_overlay_start_1:
0x0: {  	(tag) =	ssettag $0x1  }
0x1: {  	s0 =	srdreg.scid;
	s2 =	stileid.u32  }
0x2: {  	s0 =	sand.u32 $0x1, s0;
	s2 =	sshll.u32 s2, $0x1  }
0x3: {  	s1 =	rddreg [dreg:$0x0];
	s2 =	sor.u32 s0, s2  }
0x4: {  	s4 =	rddreg [dreg:$0x1];
	s6 =	smul.u32 $0x30, s2  }
0x5: {  	s5 =	rddreg [dreg:$0x2];
	s3 =	simm.s32 $0x0;
	s7 =	smul.u32 $0x18000, s2  }
0x6: {  	[smem:$0x7FF] =	sst s3;
	s5 =	sadd.s32 $0x10600, s5;
	s4 =	sadd.s32 s4, s6  }
0x7: {  	_ =	strace $0x8000004A;
	s15 =	sadd.s32 s5, s7;
	[dreg:$0x4] =	wrdreg s4  }
0x8: {  	s16 =	sadd.s32 $0x1800, s15;
	[dreg:$0x14] =	wrdreg s15  }
0x9: {  	s2 =	smul.u32 $0xC0000, s2;
	s17 =	sadd.s32 $0x3000, s15;
	[dreg:$0x5] =	wrdreg s16  }
0xa: {  	s18 =	sadd.s32 $0x4800, s15;
	[dreg:$0x6] =	wrdreg s17  }
0xb: {  	s2 =	sshrl.u32 s2, $0x3;
	s19 =	sadd.s32 $0x6000, s15;
	[dreg:$0x7] =	wrdreg s18  }
0xc: {  	s20 =	sadd.s32 $0x7800, s15;
	s2 =	sadd.s32 s5, s2;
	[dreg:$0x8] =	wrdreg s19  }
0xd: {  	s8 =	sadd.s32 $0x400, s1;
	[dreg:$0x9] =	wrdreg s20;
	s21 =	sadd.s32 $0x9000, s2  }
0xe: {  	s9 =	sadd.s32 $0x500, s1;
	s22 =	sadd.s32 $0xA800, s2;
	[dreg:$0xa] =	wrdreg s21  }
0xf: {  	s10 =	sadd.s32 $0x600, s1;
	s23 =	sadd.s32 $0xC000, s2;
	[dreg:$0xb] =	wrdreg s22  }
0x10: {  	s11 =	sadd.s32 $0x700, s1;
	s25 =	sadd.s32 $0xD800, s2;
	[dreg:$0xc] =	wrdreg s23  }
0x11: {  	s0 =	ssub.s32 $0x2, s0;
	s26 =	sadd.s32 $0xF000, s2;
	[dreg:$0xd] =	wrdreg s25  }
0x12: {  	s24 =	sshrl.u32 s0, $0x1;
	s28 =	sadd.s32 $0x10800, s2;
	[dreg:$0xe] =	wrdreg s26  }
0x13: {  	s0 =	ssub.s32 s0, s24;
	s29 =	sadd.s32 $0x12000, s2;
	[dreg:$0xf] =	wrdreg s28  }
0x14: {  	s24 =	simm.s32 $0x3;
	s30 =	sadd.s32 $0x13800, s2;
	[dreg:$0x10] =	wrdreg s29  }
0x15: {  	s6 =	sadd.s32 $0x200, s1;
	s31 =	sadd.s32 $0x15000, s2;
	[dreg:$0x11] =	wrdreg s30  }
0x16: {  	v2 =	vlaneseq.u32;
	s7 =	sadd.s32 $0x300, s1;
	s2 =	sadd.s32 $0x16800, s2;
	[dreg:$0x12] =	wrdreg s31  }
0x17: {  	vm0 =	vmmov $0xffff;
	v1 =	vshrl.u32 v2, $0x3;
	s0 =	smax.u32 s0, $0x1;
	s5 =	sadd.s32 $0x100, s1;
	[dreg:$0x13] =	wrdreg s2  }
0x18: {  	v0 =	vand.u32 $0x7, v2;
	v2 =	vor.u32 $0x8, v2;
	v1 =	vmul.u32 $0x8, v1;
	s23 =	simm.s32 $0x1;
	s25 =	simm.s32 $0x2;
	s26 =	simm.s32 $0x4  }
.LBB2_1:
0x19: {  	[dreg:$0x15] =	wrdreg s0  }
0x1a: {  	s28 =	rddreg [dreg:$0x4];
	s14 =	simm.s32 $0x5  }
0x1b: {  	[tilespmem:s3], [sflag:$0x5] =	stream.linear.gather [hbm4b:s28+s3], $0x180, $0x38;
	[tilespmem:$0x18180] =	vst v63  }
0x1c: {  	_ =	swait.ge [sflag:s14], $0x180  }
0x1d: {  	[sflag:s14] =	ssyncset.done $0x0  }
0x1e: {  	[sflag:s14] =	ssyncadd.s32 $0xFFFFFE80  }
0x1f: {  	v3 =	vld [tilespmem:$0x0];
	_ =	sdelay $0x4  }
0x20: {  	v4 =	vshll.u32 v3, $0x4  }
0x21: {  	v3 =	vand.u32 $0x7, v3;
	v4 =	vand.u32 $0xFFFFFF80, v4  }
0x22: {  	v3 =	vor.u32 v3, v4  }
0x23: {  	v4 =	vperm.xlane v3, v0;
	_ =	sdelay $0x1  }
0x24: {  	v4 =	vadd.s32 v1, v4;
	_ =	sdelay $0x3  }
0x25: {  	s15 =	simm.s32 $0x180  }
0x26: {  	[tilespmem:s15], [sflag:$0x1] =	stream.indirect_vreg.gather [hbm4b:s1+s3], $0x80, v4, vm0, $0xb8;
	[tilespmem:$0x18180] =	vst v63  }
0x27: {  	s16 =	simm.s32 $0x980  }
0x28: {  	[tilespmem:s16], [sflag:$0x1] =	stream.indirect_vreg.gather [hbm4b:s5+s3], $0x80, v4, vm0, $0xb8;
	[tilespmem:$0x18180] =	vst v63  }
0x29: {  	s17 =	simm.s32 $0x1180  }
0x2a: {  	[tilespmem:s17], [sflag:$0x1] =	stream.indirect_vreg.gather [hbm4b:s6+s3], $0x80, v4, vm0, $0xb8;
	[tilespmem:$0x18180] =	vst v63  }
0x2b: {  	s18 =	simm.s32 $0x1980  }
0x2c: {  	[tilespmem:s18], [sflag:$0x1] =	stream.indirect_vreg.gather [hbm4b:s7+s3], $0x80, v4, vm0, $0xb8;
	[tilespmem:$0x18180] =	vst v63  }
0x2d: {  	s19 =	simm.s32 $0x2180  }
0x2e: {  	[tilespmem:s19], [sflag:$0x1] =	stream.indirect_vreg.gather [hbm4b:s8+s3], $0x80, v4, vm0, $0xb8;
	[tilespmem:$0x18180] =	vst v63  }
0x2f: {  	s20 =	simm.s32 $0x2980;
	v3 =	vperm.xlane v3, v2  }
0x30: {  	[tilespmem:s20], [sflag:$0x1] =	stream.indirect_vreg.gather [hbm4b:s9+s3], $0x80, v4, vm0, $0xb8;
	[tilespmem:$0x18180] =	vst v63  }
0x31: {  	s21 =	simm.s32 $0x3180;
	v3 =	vadd.s32 v1, v3  }
0x32: {  	[tilespmem:s21], [sflag:$0x1] =	stream.indirect_vreg.gather [hbm4b:s10+s3], $0x80, v4, vm0, $0xb8;
	[tilespmem:$0x18180] =	vst v63  }
0x33: {  	s22 =	simm.s32 $0x3980  }
0x34: {  	[tilespmem:s22], [sflag:$0x1] =	stream.indirect_vreg.gather [hbm4b:s11+s3], $0x80, v4, vm0, $0xb8;
	[tilespmem:$0x18180] =	vst v63  }
0x35: {  	s28 =	simm.s32 $0x4180  }
0x36: {  	[tilespmem:s28], [sflag:$0x1] =	stream.indirect_vreg.gather [hbm4b:s1+s3], $0x80, v3, vm0, $0xb8;
	[tilespmem:$0x18180] =	vst v63  }
0x37: {  	s29 =	simm.s32 $0x4980  }
0x38: {  	[tilespmem:s29], [sflag:$0x1] =	stream.indirect_vreg.gather [hbm4b:s5+s3], $0x80, v3, vm0, $0xb8;
	[tilespmem:$0x18180] =	vst v63  }
0x39: {  	s30 =	simm.s32 $0x5180  }
0x3a: {  	[tilespmem:s30], [sflag:$0x1] =	stream.indirect_vreg.gather [hbm4b:s6+s3], $0x80, v3, vm0, $0xb8;
	[tilespmem:$0x18180] =	vst v63  }
0x3b: {  	s31 =	simm.s32 $0x5980  }
0x3c: {  	[tilespmem:s31], [sflag:$0x1] =	stream.indirect_vreg.gather [hbm4b:s7+s3], $0x80, v3, vm0, $0xb8;
	[tilespmem:$0x18180] =	vst v63  }
0x3d: {  	s2 =	simm.s32 $0x6180  }
0x3e: {  	[tilespmem:s2], [sflag:$0x1] =	stream.indirect_vreg.gather [hbm4b:s8+s3], $0x80, v3, vm0, $0xb8;
	[tilespmem:$0x18180] =	vst v63  }
0x3f: {  	s4 =	simm.s32 $0x6980  }
0x40: {  	[tilespmem:s4], [sflag:$0x1] =	stream.indirect_vreg.gather [hbm4b:s9+s3], $0x80, v3, vm0, $0xb8;
	[tilespmem:$0x18180] =	vst v63  }
0x41: {  	s14 =	simm.s32 $0x7180  }
0x42: {  	[tilespmem:s14], [sflag:$0x1] =	stream.indirect_vreg.gather [hbm4b:s10+s3], $0x80, v3, vm0, $0xb8;
	[tilespmem:$0x18180] =	vst v63  }
0x43: {  	s15 =	simm.s32 $0x7980  }
0x44: {  	[tilespmem:s15], [sflag:$0x1] =	stream.indirect_vreg.gather [hbm4b:s11+s3], $0x80, v3, vm0, $0xb8;
	[tilespmem:$0x18180] =	vst v63  }
0x45: {  	v3 =	vld.msk [tilespmem:$0x10], $0xff;
	_ =	sdelay $0x4  }
0x46: {  	v33 =	vshll.u32 v3, $0x4  }
0x47: {  	v3 =	vand.u32 $0x7, v3;
	v4 =	vand.u32 $0xFFFFFF80, v33  }
0x48: {  	v3 =	vor.u32 v3, v4  }
0x49: {  	v3 =	vperm.xlane v3, v0;
	_ =	sdelay $0x1  }
0x4a: {  	v3 =	vadd.s32 v1, v3;
	_ =	sdelay $0x3  }
0x4b: {  	s16 =	simm.s32 $0x8180  }
0x4c: {  	[tilespmem:s16], [sflag:$0x1] =	stream.indirect_vreg.gather [hbm4b:s1+s3], $0x80, v3, vm0, $0xb8;
	[tilespmem:$0x18180] =	vst v63  }
0x4d: {  	s17 =	simm.s32 $0x8980  }
0x4e: {  	[tilespmem:s17], [sflag:$0x1] =	stream.indirect_vreg.gather [hbm4b:s5+s3], $0x80, v3, vm0, $0xb8;
	[tilespmem:$0x18180] =	vst v63  }
0x4f: {  	s19 =	simm.s32 $0x9180  }
0x50: {  	[tilespmem:s19], [sflag:$0x1] =	stream.indirect_vreg.gather [hbm4b:s6+s3], $0x80, v3, vm0, $0xb8;
	[tilespmem:$0x18180] =	vst v63  }
0x51: {  	s20 =	simm.s32 $0x9980  }
0x52: {  	[tilespmem:s20], [sflag:$0x1] =	stream.indirect_vreg.gather [hbm4b:s7+s3], $0x80, v3, vm0, $0xb8;
	[tilespmem:$0x18180] =	vst v63  }
0x53: {  	s21 =	simm.s32 $0xA180  }
0x54: {  	[tilespmem:s21], [sflag:$0x1] =	stream.indirect_vreg.gather [hbm4b:s8+s3], $0x80, v3, vm0, $0xb8;
	[tilespmem:$0x18180] =	vst v63  }
0x55: {  	s22 =	simm.s32 $0xA980  }
0x56: {  	[tilespmem:s22], [sflag:$0x1] =	stream.indirect_vreg.gather [hbm4b:s9+s3], $0x80, v3, vm0, $0xb8;
	[tilespmem:$0x18180] =	vst v63  }
0x57: {  	s28 =	simm.s32 $0xB180  }
0x58: {  	[tilespmem:s28], [sflag:$0x1] =	stream.indirect_vreg.gather [hbm4b:s10+s3], $0x80, v3, vm0, $0xb8;
	[tilespmem:$0x18180] =	vst v63  }
0x59: {  	s29 =	simm.s32 $0xB980  }
0x5a: {  	[tilespmem:s29], [sflag:$0x1] =	stream.indirect_vreg.gather [hbm4b:s11+s3], $0x80, v3, vm0, $0xb8;
	[tilespmem:$0x18180] =	vst v63  }
0x5b: {  	v3 =	vld [tilespmem:$0x18];
	_ =	sdelay $0x4  }
0x5c: {  	v34 =	vshll.u32 v3, $0x4  }
0x5d: {  	v3 =	vand.u32 $0x7, v3;
	v4 =	vand.u32 $0xFFFFFF80, v34  }
0x5e: {  	v3 =	vor.u32 v3, v4  }
0x5f: {  	v4 =	vperm.xlane v3, v0;
	_ =	sdelay $0x1  }
0x60: {  	v4 =	vadd.s32 v1, v4;
	_ =	sdelay $0x3  }
0x61: {  	s30 =	simm.s32 $0xC180  }
0x62: {  	[tilespmem:s30], [sflag:$0x2] =	stream.indirect_vreg.gather [hbm4b:s1+s3], $0x80, v4, vm0, $0xb8;
	[tilespmem:$0x18180] =	vst v63  }
0x63: {  	s31 =	simm.s32 $0xC980  }
0x64: {  	[tilespmem:s31], [sflag:$0x2] =	stream.indirect_vreg.gather [hbm4b:s5+s3], $0x80, v4, vm0, $0xb8;
	[tilespmem:$0x18180] =	vst v63  }
0x65: {  	s0 =	simm.s32 $0xD180  }
0x66: {  	[tilespmem:s0], [sflag:$0x2] =	stream.indirect_vreg.gather [hbm4b:s6+s3], $0x80, v4, vm0, $0xb8;
	[tilespmem:$0x18180] =	vst v63  }
0x67: {  	s2 =	simm.s32 $0xD980  }
0x68: {  	[tilespmem:s2], [sflag:$0x2] =	stream.indirect_vreg.gather [hbm4b:s7+s3], $0x80, v4, vm0, $0xb8;
	[tilespmem:$0x18180] =	vst v63  }
0x69: {  	s4 =	simm.s32 $0xE180  }
0x6a: {  	[tilespmem:s4], [sflag:$0x2] =	stream.indirect_vreg.gather [hbm4b:s8+s3], $0x80, v4, vm0, $0xb8;
	[tilespmem:$0x18180] =	vst v63  }
0x6b: {  	s14 =	simm.s32 $0xE980;
	v3 =	vperm.xlane v3, v2  }
0x6c: {  	[tilespmem:s14], [sflag:$0x2] =	stream.indirect_vreg.gather [hbm4b:s9+s3], $0x80, v4, vm0, $0xb8;
	[tilespmem:$0x18180] =	vst v63  }
0x6d: {  	s15 =	simm.s32 $0xF180;
	v3 =	vadd.s32 v1, v3  }
0x6e: {  	[tilespmem:s15], [sflag:$0x2] =	stream.indirect_vreg.gather [hbm4b:s10+s3], $0x80, v4, vm0, $0xb8;
	[tilespmem:$0x18180] =	vst v63  }
0x6f: {  	s16 =	simm.s32 $0xF980  }
0x70: {  	[tilespmem:s16], [sflag:$0x2] =	stream.indirect_vreg.gather [hbm4b:s11+s3], $0x80, v4, vm0, $0xb8;
	[tilespmem:$0x18180] =	vst v63  }
0x71: {  	s17 =	simm.s32 $0x10180  }
0x72: {  	[tilespmem:s17], [sflag:$0x2] =	stream.indirect_vreg.gather [hbm4b:s1+s3], $0x80, v3, vm0, $0xb8;
	[tilespmem:$0x18180] =	vst v63  }
0x73: {  	s19 =	simm.s32 $0x10980  }
0x74: {  	[tilespmem:s19], [sflag:$0x2] =	stream.indirect_vreg.gather [hbm4b:s5+s3], $0x80, v3, vm0, $0xb8;
	[tilespmem:$0x18180] =	vst v63  }
0x75: {  	s20 =	simm.s32 $0x11180  }
0x76: {  	[tilespmem:s20], [sflag:$0x2] =	stream.indirect_vreg.gather [hbm4b:s6+s3], $0x80, v3, vm0, $0xb8;
	[tilespmem:$0x18180] =	vst v63  }
0x77: {  	s21 =	simm.s32 $0x11980  }
0x78: {  	[tilespmem:s21], [sflag:$0x2] =	stream.indirect_vreg.gather [hbm4b:s7+s3], $0x80, v3, vm0, $0xb8;
	[tilespmem:$0x18180] =	vst v63  }
0x79: {  	s22 =	simm.s32 $0x12180  }
0x7a: {  	[tilespmem:s22], [sflag:$0x2] =	stream.indirect_vreg.gather [hbm4b:s8+s3], $0x80, v3, vm0, $0xb8;
	[tilespmem:$0x18180] =	vst v63  }
0x7b: {  	s29 =	simm.s32 $0x12980  }
0x7c: {  	[tilespmem:s29], [sflag:$0x2] =	stream.indirect_vreg.gather [hbm4b:s9+s3], $0x80, v3, vm0, $0xb8;
	[tilespmem:$0x18180] =	vst v63  }
0x7d: {  	s30 =	simm.s32 $0x13180  }
0x7e: {  	[tilespmem:s30], [sflag:$0x2] =	stream.indirect_vreg.gather [hbm4b:s10+s3], $0x80, v3, vm0, $0xb8;
	[tilespmem:$0x18180] =	vst v63  }
0x7f: {  	s31 =	simm.s32 $0x13980  }
0x80: {  	[tilespmem:s31], [sflag:$0x2] =	stream.indirect_vreg.gather [hbm4b:s11+s3], $0x80, v3, vm0, $0xb8;
	[tilespmem:$0x18180] =	vst v63  }
0x81: {  	v3 =	vld.msk [tilespmem:$0x28], $0xff;
	_ =	sdelay $0x4  }
0x82: {  	v35 =	vshll.u32 v3, $0x4  }
0x83: {  	v3 =	vand.u32 $0x7, v3;
	v4 =	vand.u32 $0xFFFFFF80, v35  }
0x84: {  	v3 =	vor.u32 v3, v4  }
0x85: {  	v3 =	vperm.xlane v3, v0;
	_ =	sdelay $0x1  }
0x86: {  	v3 =	vadd.s32 v1, v3;
	_ =	sdelay $0x3  }
0x87: {  	s0 =	simm.s32 $0x14180  }
0x88: {  	[tilespmem:s0], [sflag:$0x2] =	stream.indirect_vreg.gather [hbm4b:s1+s3], $0x80, v3, vm0, $0xb8;
	[tilespmem:$0x18180] =	vst v63  }
0x89: {  	s2 =	simm.s32 $0x14980  }
0x8a: {  	[tilespmem:s2], [sflag:$0x2] =	stream.indirect_vreg.gather [hbm4b:s5+s3], $0x80, v3, vm0, $0xb8;
	[tilespmem:$0x18180] =	vst v63  }
0x8b: {  	s4 =	simm.s32 $0x15180  }
0x8c: {  	[tilespmem:s4], [sflag:$0x2] =	stream.indirect_vreg.gather [hbm4b:s6+s3], $0x80, v3, vm0, $0xb8;
	[tilespmem:$0x18180] =	vst v63  }
0x8d: {  	s14 =	simm.s32 $0x15980  }
0x8e: {  	[tilespmem:s14], [sflag:$0x2] =	stream.indirect_vreg.gather [hbm4b:s7+s3], $0x80, v3, vm0, $0xb8;
	[tilespmem:$0x18180] =	vst v63  }
0x8f: {  	s15 =	simm.s32 $0x16180  }
0x90: {  	[tilespmem:s15], [sflag:$0x2] =	stream.indirect_vreg.gather [hbm4b:s8+s3], $0x80, v3, vm0, $0xb8;
	[tilespmem:$0x18180] =	vst v63  }
0x91: {  	s16 =	simm.s32 $0x16980  }
0x92: {  	[tilespmem:s16], [sflag:$0x2] =	stream.indirect_vreg.gather [hbm4b:s9+s3], $0x80, v3, vm0, $0xb8;
	[tilespmem:$0x18180] =	vst v63  }
0x93: {  	s17 =	simm.s32 $0x17180  }
0x94: {  	[tilespmem:s17], [sflag:$0x2] =	stream.indirect_vreg.gather [hbm4b:s10+s3], $0x80, v3, vm0, $0xb8;
	[tilespmem:$0x18180] =	vst v63  }
0x95: {  	s19 =	simm.s32 $0x17980  }
0x96: {  	[tilespmem:s19], [sflag:$0x2] =	stream.indirect_vreg.gather [hbm4b:s11+s3], $0x80, v3, vm0, $0xb8;
	[tilespmem:$0x18180] =	vst v63  }
0x97: {  	_ =	swait.ge [sflag:s23], $0xC000  }
0x98: {  	[sflag:s23] =	ssyncset.done $0x0  }
0x99: {  	s21 =	simm.s32 $0x180;
	s20 =	rddreg [dreg:$0x14];
	[sflag:s23] =	ssyncadd.s32 $0xFFFF4000  }
0x9a: {  	[hbm4b:s20+s3] =	stream.linear.scatter [tilespmem:s21], [sflag:$0x3], $0xC000, $0x38;
	[tilespmem:$0x18180] =	vst v63  }
0x9b: {  	_ =	swait.ge [sflag:s24], $0xC000  }
0x9c: {  	[sflag:s24] =	ssyncset.done $0x0  }
0x9d: {  	[sflag:s24] =	ssyncadd.s32 $0xFFFF4000  }
0x9e: {  	v3 =	vld [tilespmem:$0x30];
	_ =	sdelay $0x4  }
0x9f: {  	v36 =	vshll.u32 v3, $0x4  }
0xa0: {  	v3 =	vand.u32 $0x7, v3;
	v4 =	vand.u32 $0xFFFFFF80, v36  }
0xa1: {  	v3 =	vor.u32 v3, v4  }
0xa2: {  	v4 =	vperm.xlane v3, v0;
	_ =	sdelay $0x1  }
0xa3: {  	v4 =	vadd.s32 v1, v4;
	_ =	sdelay $0x4  }
0xa4: {  	[tilespmem:s21], [sflag:$0x1] =	stream.indirect_vreg.gather [hbm4b:s1+s3], $0x80, v4, vm0, $0xb8;
	[tilespmem:$0x18180] =	vst v63  }
0xa5: {  	s2 =	simm.s32 $0x980  }
0xa6: {  	[tilespmem:s2], [sflag:$0x1] =	stream.indirect_vreg.gather [hbm4b:s5+s3], $0x80, v4, vm0, $0xb8;
	[tilespmem:$0x18180] =	vst v63  }
0xa7: {  	s22 =	simm.s32 $0x1180  }
0xa8: {  	[tilespmem:s22], [sflag:$0x1] =	stream.indirect_vreg.gather [hbm4b:s6+s3], $0x80, v4, vm0, $0xb8;
	[tilespmem:$0x18180] =	vst v63  }
0xa9: {  	s4 =	simm.s32 $0x1980  }
0xaa: {  	[tilespmem:s4], [sflag:$0x1] =	stream.indirect_vreg.gather [hbm4b:s7+s3], $0x80, v4, vm0, $0xb8;
	[tilespmem:$0x18180] =	vst v63  }
0xab: {  	s12 =	simm.s32 $0x2180  }
0xac: {  	[tilespmem:s12], [sflag:$0x1] =	stream.indirect_vreg.gather [hbm4b:s8+s3], $0x80, v4, vm0, $0xb8;
	[tilespmem:$0x18180] =	vst v63  }
0xad: {  	s13 =	simm.s32 $0x2980;
	v3 =	vperm.xlane v3, v2  }
0xae: {  	[tilespmem:s13], [sflag:$0x1] =	stream.indirect_vreg.gather [hbm4b:s9+s3], $0x80, v4, vm0, $0xb8;
	[tilespmem:$0x18180] =	vst v63  }
0xaf: {  	v3 =	vadd.s32 v1, v3;
	s12 =	simm.s32 $0x3180  }
0xb0: {  	[tilespmem:s12], [sflag:$0x1] =	stream.indirect_vreg.gather [hbm4b:s10+s3], $0x80, v4, vm0, $0xb8;
	[tilespmem:$0x18180] =	vst v63  }
0xb1: {  	s13 =	simm.s32 $0x3980  }
0xb2: {  	[tilespmem:s13], [sflag:$0x1] =	stream.indirect_vreg.gather [hbm4b:s11+s3], $0x80, v4, vm0, $0xb8;
	[tilespmem:$0x18180] =	vst v63  }
0xb3: {  	s14 =	simm.s32 $0x4180  }
0xb4: {  	[tilespmem:s14], [sflag:$0x1] =	stream.indirect_vreg.gather [hbm4b:s1+s3], $0x80, v3, vm0, $0xb8;
	[tilespmem:$0x18180] =	vst v63  }
0xb5: {  	s15 =	simm.s32 $0x4980  }
0xb6: {  	[tilespmem:s15], [sflag:$0x1] =	stream.indirect_vreg.gather [hbm4b:s5+s3], $0x80, v3, vm0, $0xb8;
	[tilespmem:$0x18180] =	vst v63  }
0xb7: {  	s16 =	simm.s32 $0x5180  }
0xb8: {  	[tilespmem:s16], [sflag:$0x1] =	stream.indirect_vreg.gather [hbm4b:s6+s3], $0x80, v3, vm0, $0xb8;
	[tilespmem:$0x18180] =	vst v63  }
0xb9: {  	s17 =	simm.s32 $0x5980  }
0xba: {  	[tilespmem:s17], [sflag:$0x1] =	stream.indirect_vreg.gather [hbm4b:s7+s3], $0x80, v3, vm0, $0xb8;
	[tilespmem:$0x18180] =	vst v63  }
0xbb: {  	s30 =	simm.s32 $0x6180  }
0xbc: {  	[tilespmem:s30], [sflag:$0x1] =	stream.indirect_vreg.gather [hbm4b:s8+s3], $0x80, v3, vm0, $0xb8;
	[tilespmem:$0x18180] =	vst v63  }
0xbd: {  	s31 =	simm.s32 $0x6980  }
0xbe: {  	[tilespmem:s31], [sflag:$0x1] =	stream.indirect_vreg.gather [hbm4b:s9+s3], $0x80, v3, vm0, $0xb8;
	[tilespmem:$0x18180] =	vst v63  }
0xbf: {  	s29 =	simm.s32 $0x7180  }
0xc0: {  	[tilespmem:s29], [sflag:$0x1] =	stream.indirect_vreg.gather [hbm4b:s10+s3], $0x80, v3, vm0, $0xb8;
	[tilespmem:$0x18180] =	vst v63  }
0xc1: {  	s18 =	simm.s32 $0x7980  }
0xc2: {  	[tilespmem:s18], [sflag:$0x1] =	stream.indirect_vreg.gather [hbm4b:s11+s3], $0x80, v3, vm0, $0xb8;
	[tilespmem:$0x18180] =	vst v63  }
0xc3: {  	v3 =	vld.msk [tilespmem:$0x40], $0xff;
	_ =	sdelay $0x4  }
0xc4: {  	v37 =	vshll.u32 v3, $0x4  }
0xc5: {  	v3 =	vand.u32 $0x7, v3;
	v4 =	vand.u32 $0xFFFFFF80, v37  }
0xc6: {  	v3 =	vor.u32 v3, v4  }
0xc7: {  	v3 =	vperm.xlane v3, v0;
	_ =	sdelay $0x1  }
0xc8: {  	v3 =	vadd.s32 v1, v3;
	_ =	sdelay $0x3  }
0xc9: {  	s22 =	simm.s32 $0x8180  }
0xca: {  	[tilespmem:s22], [sflag:$0x1] =	stream.indirect_vreg.gather [hbm4b:s1+s3], $0x80, v3, vm0, $0xb8;
	[tilespmem:$0x18180] =	vst v63  }
0xcb: {  	s20 =	simm.s32 $0x8980  }
0xcc: {  	[tilespmem:s20], [sflag:$0x1] =	stream.indirect_vreg.gather [hbm4b:s5+s3], $0x80, v3, vm0, $0xb8;
	[tilespmem:$0x18180] =	vst v63  }
0xcd: {  	s21 =	simm.s32 $0x9180  }
0xce: {  	[tilespmem:s21], [sflag:$0x1] =	stream.indirect_vreg.gather [hbm4b:s6+s3], $0x80, v3, vm0, $0xb8;
	[tilespmem:$0x18180] =	vst v63  }
0xcf: {  	s19 =	simm.s32 $0x9980  }
0xd0: {  	[tilespmem:s19], [sflag:$0x1] =	stream.indirect_vreg.gather [hbm4b:s7+s3], $0x80, v3, vm0, $0xb8;
	[tilespmem:$0x18180] =	vst v63  }
0xd1: {  	s18 =	simm.s32 $0xA180  }
0xd2: {  	[tilespmem:s18], [sflag:$0x1] =	stream.indirect_vreg.gather [hbm4b:s8+s3], $0x80, v3, vm0, $0xb8;
	[tilespmem:$0x18180] =	vst v63  }
0xd3: {  	s28 =	simm.s32 $0xA980  }
0xd4: {  	[tilespmem:s28], [sflag:$0x1] =	stream.indirect_vreg.gather [hbm4b:s9+s3], $0x80, v3, vm0, $0xb8;
	[tilespmem:$0x18180] =	vst v63  }
0xd5: {  	s28 =	simm.s32 $0xB180  }
0xd6: {  	[tilespmem:s28], [sflag:$0x1] =	stream.indirect_vreg.gather [hbm4b:s10+s3], $0x80, v3, vm0, $0xb8;
	[tilespmem:$0x18180] =	vst v63  }
0xd7: {  	s28 =	simm.s32 $0xB980  }
0xd8: {  	[tilespmem:s28], [sflag:$0x1] =	stream.indirect_vreg.gather [hbm4b:s11+s3], $0x80, v3, vm0, $0xb8;
	[tilespmem:$0x18180] =	vst v63  }
0xd9: {  	_ =	swait.ge [sflag:s25], $0xC000  }
0xda: {  	[sflag:s25] =	ssyncset.done $0x0  }
0xdb: {  	s0 =	simm.s32 $0xC180;
	s28 =	rddreg [dreg:$0x5];
	[sflag:s25] =	ssyncadd.s32 $0xFFFF4000  }
0xdc: {  	[hbm4b:s28+s3] =	stream.linear.scatter [tilespmem:s0], [sflag:$0x4], $0xC000, $0x38;
	[tilespmem:$0x18180] =	vst v63  }
0xdd: {  	_ =	swait.ge [sflag:s26], $0xC000  }
0xde: {  	[sflag:s26] =	ssyncset.done $0x0  }
0xdf: {  	[sflag:s26] =	ssyncadd.s32 $0xFFFF4000  }
0xe0: {  	v3 =	vld [tilespmem:$0x48];
	_ =	sdelay $0x4  }
0xe1: {  	v38 =	vshll.u32 v3, $0x4  }
0xe2: {  	v3 =	vand.u32 $0x7, v3;
	v4 =	vand.u32 $0xFFFFFF80, v38  }
0xe3: {  	v3 =	vor.u32 v3, v4  }
0xe4: {  	v4 =	vperm.xlane v3, v0;
	_ =	sdelay $0x1  }
0xe5: {  	v4 =	vadd.s32 v1, v4;
	_ =	sdelay $0x4  }
0xe6: {  	[tilespmem:s0], [sflag:$0x2] =	stream.indirect_vreg.gather [hbm4b:s1+s3], $0x80, v4, vm0, $0xb8;
	[tilespmem:$0x18180] =	vst v63  }
0xe7: {  	s28 =	simm.s32 $0xC980  }
0xe8: {  	[tilespmem:s28], [sflag:$0x2] =	stream.indirect_vreg.gather [hbm4b:s5+s3], $0x80, v4, vm0, $0xb8;
	[tilespmem:$0x18180] =	vst v63  }
0xe9: {  	s28 =	simm.s32 $0xD180  }
0xea: {  	[tilespmem:s28], [sflag:$0x2] =	stream.indirect_vreg.gather [hbm4b:s6+s3], $0x80, v4, vm0, $0xb8;
	[tilespmem:$0x18180] =	vst v63  }
0xeb: {  	s28 =	simm.s32 $0xD980  }
0xec: {  	[tilespmem:s28], [sflag:$0x2] =	stream.indirect_vreg.gather [hbm4b:s7+s3], $0x80, v4, vm0, $0xb8;
	[tilespmem:$0x18180] =	vst v63  }
0xed: {  	s28 =	simm.s32 $0xE180  }
0xee: {  	[tilespmem:s28], [sflag:$0x2] =	stream.indirect_vreg.gather [hbm4b:s8+s3], $0x80, v4, vm0, $0xb8;
	[tilespmem:$0x18180] =	vst v63  }
0xef: {  	v3 =	vperm.xlane v3, v2;
	s28 =	simm.s32 $0xE980  }
0xf0: {  	[tilespmem:s28], [sflag:$0x2] =	stream.indirect_vreg.gather [hbm4b:s9+s3], $0x80, v4, vm0, $0xb8;
	[tilespmem:$0x18180] =	vst v63  }
0xf1: {  	v3 =	vadd.s32 v1, v3;
	s28 =	simm.s32 $0xF180  }
0xf2: {  	[tilespmem:s28], [sflag:$0x2] =	stream.indirect_vreg.gather [hbm4b:s10+s3], $0x80, v4, vm0, $0xb8;
	[tilespmem:$0x18180] =	vst v63  }
0xf3: {  	s28 =	simm.s32 $0xF980  }
0xf4: {  	[tilespmem:s28], [sflag:$0x2] =	stream.indirect_vreg.gather [hbm4b:s11+s3], $0x80, v4, vm0, $0xb8;
	[tilespmem:$0x18180] =	vst v63  }
0xf5: {  	s28 =	simm.s32 $0x10180  }
0xf6: {  	[tilespmem:s28], [sflag:$0x2] =	stream.indirect_vreg.gather [hbm4b:s1+s3], $0x80, v3, vm0, $0xb8;
	[tilespmem:$0x18180] =	vst v63  }
0xf7: {  	s28 =	simm.s32 $0x10980  }
0xf8: {  	[tilespmem:s28], [sflag:$0x2] =	stream.indirect_vreg.gather [hbm4b:s5+s3], $0x80, v3, vm0, $0xb8;
	[tilespmem:$0x18180] =	vst v63  }
0xf9: {  	s28 =	simm.s32 $0x11180  }
0xfa: {  	[tilespmem:s28], [sflag:$0x2] =	stream.indirect_vreg.gather [hbm4b:s6+s3], $0x80, v3, vm0, $0xb8;
	[tilespmem:$0x18180] =	vst v63  }
0xfb: {  	s28 =	simm.s32 $0x11980  }
0xfc: {  	[tilespmem:s28], [sflag:$0x2] =	stream.indirect_vreg.gather [hbm4b:s7+s3], $0x80, v3, vm0, $0xb8;
	[tilespmem:$0x18180] =	vst v63  }
0xfd: {  	s28 =	simm.s32 $0x12180  }
0xfe: {  	[tilespmem:s28], [sflag:$0x2] =	stream.indirect_vreg.gather [hbm4b:s8+s3], $0x80, v3, vm0, $0xb8;
	[tilespmem:$0x18180] =	vst v63  }
0xff: {  	s28 =	simm.s32 $0x12980  }
0x100: {  	[tilespmem:s28], [sflag:$0x2] =	stream.indirect_vreg.gather [hbm4b:s9+s3], $0x80, v3, vm0, $0xb8;
	[tilespmem:$0x18180] =	vst v63  }
0x101: {  	s28 =	simm.s32 $0x13180  }
0x102: {  	[tilespmem:s28], [sflag:$0x2] =	stream.indirect_vreg.gather [hbm4b:s10+s3], $0x80, v3, vm0, $0xb8;
	[tilespmem:$0x18180] =	vst v63  }
0x103: {  	s28 =	simm.s32 $0x13980  }
0x104: {  	[tilespmem:s28], [sflag:$0x2] =	stream.indirect_vreg.gather [hbm4b:s11+s3], $0x80, v3, vm0, $0xb8;
	[tilespmem:$0x18180] =	vst v63  }
0x105: {  	v3 =	vld.msk [tilespmem:$0x58], $0xff;
	_ =	sdelay $0x4  }
0x106: {  	v39 =	vshll.u32 v3, $0x4  }
0x107: {  	v3 =	vand.u32 $0x7, v3;
	v4 =	vand.u32 $0xFFFFFF80, v39  }
0x108: {  	v3 =	vor.u32 v3, v4  }
0x109: {  	v3 =	vperm.xlane v3, v0;
	_ =	sdelay $0x1  }
0x10a: {  	v3 =	vadd.s32 v1, v3;
	_ =	sdelay $0x3  }
0x10b: {  	s28 =	simm.s32 $0x14180  }
0x10c: {  	[tilespmem:s28], [sflag:$0x2] =	stream.indirect_vreg.gather [hbm4b:s1+s3], $0x80, v3, vm0, $0xb8;
	[tilespmem:$0x18180] =	vst v63  }
0x10d: {  	s28 =	simm.s32 $0x14980  }
0x10e: {  	[tilespmem:s28], [sflag:$0x2] =	stream.indirect_vreg.gather [hbm4b:s5+s3], $0x80, v3, vm0, $0xb8;
	[tilespmem:$0x18180] =	vst v63  }
0x10f: {  	s28 =	simm.s32 $0x15180  }
0x110: {  	[tilespmem:s28], [sflag:$0x2] =	stream.indirect_vreg.gather [hbm4b:s6+s3], $0x80, v3, vm0, $0xb8;
	[tilespmem:$0x18180] =	vst v63  }
0x111: {  	s28 =	simm.s32 $0x15980  }
0x112: {  	[tilespmem:s28], [sflag:$0x2] =	stream.indirect_vreg.gather [hbm4b:s7+s3], $0x80, v3, vm0, $0xb8;
	[tilespmem:$0x18180] =	vst v63  }
0x113: {  	s28 =	simm.s32 $0x16180  }
0x114: {  	[tilespmem:s28], [sflag:$0x2] =	stream.indirect_vreg.gather [hbm4b:s8+s3], $0x80, v3, vm0, $0xb8;
	[tilespmem:$0x18180] =	vst v63  }
0x115: {  	s28 =	simm.s32 $0x16980  }
0x116: {  	[tilespmem:s28], [sflag:$0x2] =	stream.indirect_vreg.gather [hbm4b:s9+s3], $0x80, v3, vm0, $0xb8;
	[tilespmem:$0x18180] =	vst v63  }
0x117: {  	s28 =	simm.s32 $0x17180  }
0x118: {  	[tilespmem:s28], [sflag:$0x2] =	stream.indirect_vreg.gather [hbm4b:s10+s3], $0x80, v3, vm0, $0xb8;
	[tilespmem:$0x18180] =	vst v63  }
0x119: {  	s28 =	simm.s32 $0x17980  }
0x11a: {  	[tilespmem:s28], [sflag:$0x2] =	stream.indirect_vreg.gather [hbm4b:s11+s3], $0x80, v3, vm0, $0xb8;
	[tilespmem:$0x18180] =	vst v63  }
0x11b: {  	_ =	swait.ge [sflag:s23], $0xC000  }
0x11c: {  	[sflag:s23] =	ssyncset.done $0x0  }
0x11d: {  	s0 =	simm.s32 $0x180;
	s28 =	rddreg [dreg:$0x6];
	[sflag:s23] =	ssyncadd.s32 $0xFFFF4000  }
0x11e: {  	[hbm4b:s28+s3] =	stream.linear.scatter [tilespmem:s0], [sflag:$0x3], $0xC000, $0x38;
	[tilespmem:$0x18180] =	vst v63  }
0x11f: {  	_ =	swait.ge [sflag:s24], $0xC000  }
0x120: {  	[sflag:s24] =	ssyncset.done $0x0  }
0x121: {  	[sflag:s24] =	ssyncadd.s32 $0xFFFF4000  }
0x122: {  	v3 =	vld [tilespmem:$0x60];
	_ =	sdelay $0x4  }
0x123: {  	v40 =	vshll.u32 v3, $0x4  }
0x124: {  	v3 =	vand.u32 $0x7, v3;
	v4 =	vand.u32 $0xFFFFFF80, v40  }
0x125: {  	v3 =	vor.u32 v3, v4  }
0x126: {  	v4 =	vperm.xlane v3, v0;
	_ =	sdelay $0x1  }
0x127: {  	v4 =	vadd.s32 v1, v4;
	_ =	sdelay $0x4  }
0x128: {  	[tilespmem:s0], [sflag:$0x1] =	stream.indirect_vreg.gather [hbm4b:s1+s3], $0x80, v4, vm0, $0xb8;
	[tilespmem:$0x18180] =	vst v63  }
0x129: {  	_ = 	snop  }
0x12a: {  	[tilespmem:s2], [sflag:$0x1] =	stream.indirect_vreg.gather [hbm4b:s5+s3], $0x80, v4, vm0, $0xb8;
	[tilespmem:$0x18180] =	vst v63  }
0x12b: {  	s28 =	simm.s32 $0x1180  }
0x12c: {  	[tilespmem:s28], [sflag:$0x1] =	stream.indirect_vreg.gather [hbm4b:s6+s3], $0x80, v4, vm0, $0xb8;
	[tilespmem:$0x18180] =	vst v63  }
0x12d: {  	_ = 	snop  }
0x12e: {  	[tilespmem:s4], [sflag:$0x1] =	stream.indirect_vreg.gather [hbm4b:s7+s3], $0x80, v4, vm0, $0xb8;
	[tilespmem:$0x18180] =	vst v63  }
0x12f: {  	s2 =	simm.s32 $0x2180  }
0x130: {  	[tilespmem:s2], [sflag:$0x1] =	stream.indirect_vreg.gather [hbm4b:s8+s3], $0x80, v4, vm0, $0xb8;
	[tilespmem:$0x18180] =	vst v63  }
0x131: {  	v3 =	vperm.xlane v3, v2;
	s4 =	simm.s32 $0x2980  }
0x132: {  	[tilespmem:s4], [sflag:$0x1] =	stream.indirect_vreg.gather [hbm4b:s9+s3], $0x80, v4, vm0, $0xb8;
	[tilespmem:$0x18180] =	vst v63  }
0x133: {  	v3 =	vadd.s32 v1, v3  }
0x134: {  	[tilespmem:s12], [sflag:$0x1] =	stream.indirect_vreg.gather [hbm4b:s10+s3], $0x80, v4, vm0, $0xb8;
	[tilespmem:$0x18180] =	vst v63  }
0x135: {  	_ = 	snop  }
0x136: {  	[tilespmem:s13], [sflag:$0x1] =	stream.indirect_vreg.gather [hbm4b:s11+s3], $0x80, v4, vm0, $0xb8;
	[tilespmem:$0x18180] =	vst v63  }
0x137: {  	_ = 	snop  }
0x138: {  	[tilespmem:s14], [sflag:$0x1] =	stream.indirect_vreg.gather [hbm4b:s1+s3], $0x80, v3, vm0, $0xb8;
	[tilespmem:$0x18180] =	vst v63  }
0x139: {  	_ = 	snop  }
0x13a: {  	[tilespmem:s15], [sflag:$0x1] =	stream.indirect_vreg.gather [hbm4b:s5+s3], $0x80, v3, vm0, $0xb8;
	[tilespmem:$0x18180] =	vst v63  }
0x13b: {  	_ = 	snop  }
0x13c: {  	[tilespmem:s16], [sflag:$0x1] =	stream.indirect_vreg.gather [hbm4b:s6+s3], $0x80, v3, vm0, $0xb8;
	[tilespmem:$0x18180] =	vst v63  }
0x13d: {  	_ = 	snop  }
0x13e: {  	[tilespmem:s17], [sflag:$0x1] =	stream.indirect_vreg.gather [hbm4b:s7+s3], $0x80, v3, vm0, $0xb8;
	[tilespmem:$0x18180] =	vst v63  }
0x13f: {  	_ = 	snop  }
0x140: {  	[tilespmem:s30], [sflag:$0x1] =	stream.indirect_vreg.gather [hbm4b:s8+s3], $0x80, v3, vm0, $0xb8;
	[tilespmem:$0x18180] =	vst v63  }
0x141: {  	_ = 	snop  }
0x142: {  	[tilespmem:s31], [sflag:$0x1] =	stream.indirect_vreg.gather [hbm4b:s9+s3], $0x80, v3, vm0, $0xb8;
	[tilespmem:$0x18180] =	vst v63  }
0x143: {  	_ = 	snop  }
0x144: {  	[tilespmem:s29], [sflag:$0x1] =	stream.indirect_vreg.gather [hbm4b:s10+s3], $0x80, v3, vm0, $0xb8;
	[tilespmem:$0x18180] =	vst v63  }
0x145: {  	s17 =	simm.s32 $0x7980  }
0x146: {  	[tilespmem:s17], [sflag:$0x1] =	stream.indirect_vreg.gather [hbm4b:s11+s3], $0x80, v3, vm0, $0xb8;
	[tilespmem:$0x18180] =	vst v63  }
0x147: {  	v3 =	vld.msk [tilespmem:$0x70], $0xff;
	_ =	sdelay $0x4  }
0x148: {  	v41 =	vshll.u32 v3, $0x4  }
0x149: {  	v3 =	vand.u32 $0x7, v3;
	v4 =	vand.u32 $0xFFFFFF80, v41  }
0x14a: {  	v3 =	vor.u32 v3, v4  }
0x14b: {  	v3 =	vperm.xlane v3, v0;
	_ =	sdelay $0x1  }
0x14c: {  	v3 =	vadd.s32 v1, v3;
	_ =	sdelay $0x4  }
0x14d: {  	[tilespmem:s22], [sflag:$0x1] =	stream.indirect_vreg.gather [hbm4b:s1+s3], $0x80, v3, vm0, $0xb8;
	[tilespmem:$0x18180] =	vst v63  }
0x14e: {  	_ = 	snop  }
0x14f: {  	[tilespmem:s20], [sflag:$0x1] =	stream.indirect_vreg.gather [hbm4b:s5+s3], $0x80, v3, vm0, $0xb8;
	[tilespmem:$0x18180] =	vst v63  }
0x150: {  	_ = 	snop  }
0x151: {  	[tilespmem:s21], [sflag:$0x1] =	stream.indirect_vreg.gather [hbm4b:s6+s3], $0x80, v3, vm0, $0xb8;
	[tilespmem:$0x18180] =	vst v63  }
0x152: {  	_ = 	snop  }
0x153: {  	[tilespmem:s19], [sflag:$0x1] =	stream.indirect_vreg.gather [hbm4b:s7+s3], $0x80, v3, vm0, $0xb8;
	[tilespmem:$0x18180] =	vst v63  }
0x154: {  	_ = 	snop  }
0x155: {  	[tilespmem:s18], [sflag:$0x1] =	stream.indirect_vreg.gather [hbm4b:s8+s3], $0x80, v3, vm0, $0xb8;
	[tilespmem:$0x18180] =	vst v63  }
0x156: {  	s18 =	simm.s32 $0xA980  }
0x157: {  	[tilespmem:s18], [sflag:$0x1] =	stream.indirect_vreg.gather [hbm4b:s9+s3], $0x80, v3, vm0, $0xb8;
	[tilespmem:$0x18180] =	vst v63  }
0x158: {  	s21 =	simm.s32 $0xB180  }
0x159: {  	[tilespmem:s21], [sflag:$0x1] =	stream.indirect_vreg.gather [hbm4b:s10+s3], $0x80, v3, vm0, $0xb8;
	[tilespmem:$0x18180] =	vst v63  }
0x15a: {  	s2 =	simm.s32 $0xB980  }
0x15b: {  	[tilespmem:s2], [sflag:$0x1] =	stream.indirect_vreg.gather [hbm4b:s11+s3], $0x80, v3, vm0, $0xb8;
	[tilespmem:$0x18180] =	vst v63  }
0x15c: {  	_ =	swait.ge [sflag:s25], $0xC000  }
0x15d: {  	[sflag:s25] =	ssyncset.done $0x0  }
0x15e: {  	s29 =	simm.s32 $0xC180;
	s22 =	rddreg [dreg:$0x7];
	[sflag:s25] =	ssyncadd.s32 $0xFFFF4000  }
0x15f: {  	[hbm4b:s22+s3] =	stream.linear.scatter [tilespmem:s29], [sflag:$0x4], $0xC000, $0x38;
	[tilespmem:$0x18180] =	vst v63  }
0x160: {  	_ =	swait.ge [sflag:s26], $0xC000  }
0x161: {  	[sflag:s26] =	ssyncset.done $0x0  }
0x162: {  	[sflag:s26] =	ssyncadd.s32 $0xFFFF4000  }
0x163: {  	v3 =	vld [tilespmem:$0x78];
	_ =	sdelay $0x4  }
0x164: {  	v42 =	vshll.u32 v3, $0x4  }
0x165: {  	v3 =	vand.u32 $0x7, v3;
	v4 =	vand.u32 $0xFFFFFF80, v42  }
0x166: {  	v3 =	vor.u32 v3, v4  }
0x167: {  	v4 =	vperm.xlane v3, v0;
	_ =	sdelay $0x1  }
0x168: {  	v4 =	vadd.s32 v1, v4;
	_ =	sdelay $0x4  }
0x169: {  	[tilespmem:s29], [sflag:$0x2] =	stream.indirect_vreg.gather [hbm4b:s1+s3], $0x80, v4, vm0, $0xb8;
	[tilespmem:$0x18180] =	vst v63  }
0x16a: {  	s12 =	simm.s32 $0xC980  }
0x16b: {  	[tilespmem:s12], [sflag:$0x2] =	stream.indirect_vreg.gather [hbm4b:s5+s3], $0x80, v4, vm0, $0xb8;
	[tilespmem:$0x18180] =	vst v63  }
0x16c: {  	s13 =	simm.s32 $0xD180  }
0x16d: {  	[tilespmem:s13], [sflag:$0x2] =	stream.indirect_vreg.gather [hbm4b:s6+s3], $0x80, v4, vm0, $0xb8;
	[tilespmem:$0x18180] =	vst v63  }
0x16e: {  	s14 =	simm.s32 $0xD980  }
0x16f: {  	[tilespmem:s14], [sflag:$0x2] =	stream.indirect_vreg.gather [hbm4b:s7+s3], $0x80, v4, vm0, $0xb8;
	[tilespmem:$0x18180] =	vst v63  }
0x170: {  	s30 =	simm.s32 $0xE180  }
0x171: {  	[tilespmem:s30], [sflag:$0x2] =	stream.indirect_vreg.gather [hbm4b:s8+s3], $0x80, v4, vm0, $0xb8;
	[tilespmem:$0x18180] =	vst v63  }
0x172: {  	s31 =	simm.s32 $0xE980;
	v3 =	vperm.xlane v3, v2  }
0x173: {  	[tilespmem:s31], [sflag:$0x2] =	stream.indirect_vreg.gather [hbm4b:s9+s3], $0x80, v4, vm0, $0xb8;
	[tilespmem:$0x18180] =	vst v63  }
0x174: {  	s15 =	simm.s32 $0xF180;
	v3 =	vadd.s32 v1, v3  }
0x175: {  	[tilespmem:s15], [sflag:$0x2] =	stream.indirect_vreg.gather [hbm4b:s10+s3], $0x80, v4, vm0, $0xb8;
	[tilespmem:$0x18180] =	vst v63  }
0x176: {  	s16 =	simm.s32 $0xF980  }
0x177: {  	[tilespmem:s16], [sflag:$0x2] =	stream.indirect_vreg.gather [hbm4b:s11+s3], $0x80, v4, vm0, $0xb8;
	[tilespmem:$0x18180] =	vst v63  }
0x178: {  	s17 =	simm.s32 $0x10180  }
0x179: {  	[tilespmem:s17], [sflag:$0x2] =	stream.indirect_vreg.gather [hbm4b:s1+s3], $0x80, v3, vm0, $0xb8;
	[tilespmem:$0x18180] =	vst v63  }
0x17a: {  	s19 =	simm.s32 $0x10980  }
0x17b: {  	[tilespmem:s19], [sflag:$0x2] =	stream.indirect_vreg.gather [hbm4b:s5+s3], $0x80, v3, vm0, $0xb8;
	[tilespmem:$0x18180] =	vst v63  }
0x17c: {  	s20 =	simm.s32 $0x11180  }
0x17d: {  	[tilespmem:s20], [sflag:$0x2] =	stream.indirect_vreg.gather [hbm4b:s6+s3], $0x80, v3, vm0, $0xb8;
	[tilespmem:$0x18180] =	vst v63  }
0x17e: {  	s21 =	simm.s32 $0x11980  }
0x17f: {  	[tilespmem:s21], [sflag:$0x2] =	stream.indirect_vreg.gather [hbm4b:s7+s3], $0x80, v3, vm0, $0xb8;
	[tilespmem:$0x18180] =	vst v63  }
0x180: {  	s22 =	simm.s32 $0x12180  }
0x181: {  	[tilespmem:s22], [sflag:$0x2] =	stream.indirect_vreg.gather [hbm4b:s8+s3], $0x80, v3, vm0, $0xb8;
	[tilespmem:$0x18180] =	vst v63  }
0x182: {  	s29 =	simm.s32 $0x12980  }
0x183: {  	[tilespmem:s29], [sflag:$0x2] =	stream.indirect_vreg.gather [hbm4b:s9+s3], $0x80, v3, vm0, $0xb8;
	[tilespmem:$0x18180] =	vst v63  }
0x184: {  	s30 =	simm.s32 $0x13180  }
0x185: {  	[tilespmem:s30], [sflag:$0x2] =	stream.indirect_vreg.gather [hbm4b:s10+s3], $0x80, v3, vm0, $0xb8;
	[tilespmem:$0x18180] =	vst v63  }
0x186: {  	s4 =	simm.s32 $0x13980  }
0x187: {  	[tilespmem:s4], [sflag:$0x2] =	stream.indirect_vreg.gather [hbm4b:s11+s3], $0x80, v3, vm0, $0xb8;
	[tilespmem:$0x18180] =	vst v63  }
0x188: {  	v3 =	vld.msk [tilespmem:$0x88], $0xff;
	_ =	sdelay $0x4  }
0x189: {  	v43 =	vshll.u32 v3, $0x4  }
0x18a: {  	v3 =	vand.u32 $0x7, v3;
	v4 =	vand.u32 $0xFFFFFF80, v43  }
0x18b: {  	v3 =	vor.u32 v3, v4  }
0x18c: {  	v3 =	vperm.xlane v3, v0;
	_ =	sdelay $0x1  }
0x18d: {  	v3 =	vadd.s32 v1, v3;
	_ =	sdelay $0x3  }
0x18e: {  	s31 =	simm.s32 $0x14180  }
0x18f: {  	[tilespmem:s31], [sflag:$0x2] =	stream.indirect_vreg.gather [hbm4b:s1+s3], $0x80, v3, vm0, $0xb8;
	[tilespmem:$0x18180] =	vst v63  }
0x190: {  	s4 =	simm.s32 $0x14980  }
0x191: {  	[tilespmem:s4], [sflag:$0x2] =	stream.indirect_vreg.gather [hbm4b:s5+s3], $0x80, v3, vm0, $0xb8;
	[tilespmem:$0x18180] =	vst v63  }
0x192: {  	s28 =	simm.s32 $0x15180  }
0x193: {  	[tilespmem:s28], [sflag:$0x2] =	stream.indirect_vreg.gather [hbm4b:s6+s3], $0x80, v3, vm0, $0xb8;
	[tilespmem:$0x18180] =	vst v63  }
0x194: {  	s28 =	simm.s32 $0x15980  }
0x195: {  	[tilespmem:s28], [sflag:$0x2] =	stream.indirect_vreg.gather [hbm4b:s7+s3], $0x80, v3, vm0, $0xb8;
	[tilespmem:$0x18180] =	vst v63  }
0x196: {  	s28 =	simm.s32 $0x16180  }
0x197: {  	[tilespmem:s28], [sflag:$0x2] =	stream.indirect_vreg.gather [hbm4b:s8+s3], $0x80, v3, vm0, $0xb8;
	[tilespmem:$0x18180] =	vst v63  }
0x198: {  	s28 =	simm.s32 $0x16980  }
0x199: {  	[tilespmem:s28], [sflag:$0x2] =	stream.indirect_vreg.gather [hbm4b:s9+s3], $0x80, v3, vm0, $0xb8;
	[tilespmem:$0x18180] =	vst v63  }
0x19a: {  	s28 =	simm.s32 $0x17180  }
0x19b: {  	[tilespmem:s28], [sflag:$0x2] =	stream.indirect_vreg.gather [hbm4b:s10+s3], $0x80, v3, vm0, $0xb8;
	[tilespmem:$0x18180] =	vst v63  }
0x19c: {  	s28 =	simm.s32 $0x17980  }
0x19d: {  	[tilespmem:s28], [sflag:$0x2] =	stream.indirect_vreg.gather [hbm4b:s11+s3], $0x80, v3, vm0, $0xb8;
	[tilespmem:$0x18180] =	vst v63  }
0x19e: {  	_ =	swait.ge [sflag:s23], $0xC000  }
0x19f: {  	[sflag:s23] =	ssyncset.done $0x0  }
0x1a0: {  	s0 =	simm.s32 $0x180;
	s28 =	rddreg [dreg:$0x8];
	[sflag:s23] =	ssyncadd.s32 $0xFFFF4000  }
0x1a1: {  	[hbm4b:s28+s3] =	stream.linear.scatter [tilespmem:s0], [sflag:$0x3], $0xC000, $0x38;
	[tilespmem:$0x18180] =	vst v63  }
0x1a2: {  	_ =	swait.ge [sflag:s24], $0xC000  }
0x1a3: {  	[sflag:s24] =	ssyncset.done $0x0  }
0x1a4: {  	[sflag:s24] =	ssyncadd.s32 $0xFFFF4000  }
0x1a5: {  	v3 =	vld [tilespmem:$0x90];
	_ =	sdelay $0x4  }
0x1a6: {  	v44 =	vshll.u32 v3, $0x4  }
0x1a7: {  	v3 =	vand.u32 $0x7, v3;
	v4 =	vand.u32 $0xFFFFFF80, v44  }
0x1a8: {  	v3 =	vor.u32 v3, v4  }
0x1a9: {  	v4 =	vperm.xlane v3, v0;
	_ =	sdelay $0x1  }
0x1aa: {  	v4 =	vadd.s32 v1, v4;
	_ =	sdelay $0x4  }
0x1ab: {  	[tilespmem:s0], [sflag:$0x1] =	stream.indirect_vreg.gather [hbm4b:s1+s3], $0x80, v4, vm0, $0xb8;
	[tilespmem:$0x18180] =	vst v63  }
0x1ac: {  	s28 =	simm.s32 $0x980  }
0x1ad: {  	[tilespmem:s28], [sflag:$0x1] =	stream.indirect_vreg.gather [hbm4b:s5+s3], $0x80, v4, vm0, $0xb8;
	[tilespmem:$0x18180] =	vst v63  }
0x1ae: {  	s28 =	simm.s32 $0x1180  }
0x1af: {  	[tilespmem:s28], [sflag:$0x1] =	stream.indirect_vreg.gather [hbm4b:s6+s3], $0x80, v4, vm0, $0xb8;
	[tilespmem:$0x18180] =	vst v63  }
0x1b0: {  	s28 =	simm.s32 $0x1980  }
0x1b1: {  	[tilespmem:s28], [sflag:$0x1] =	stream.indirect_vreg.gather [hbm4b:s7+s3], $0x80, v4, vm0, $0xb8;
	[tilespmem:$0x18180] =	vst v63  }
0x1b2: {  	s28 =	simm.s32 $0x2180  }
0x1b3: {  	[tilespmem:s28], [sflag:$0x1] =	stream.indirect_vreg.gather [hbm4b:s8+s3], $0x80, v4, vm0, $0xb8;
	[tilespmem:$0x18180] =	vst v63  }
0x1b4: {  	v3 =	vperm.xlane v3, v2;
	s28 =	simm.s32 $0x2980  }
0x1b5: {  	[tilespmem:s28], [sflag:$0x1] =	stream.indirect_vreg.gather [hbm4b:s9+s3], $0x80, v4, vm0, $0xb8;
	[tilespmem:$0x18180] =	vst v63  }
0x1b6: {  	v3 =	vadd.s32 v1, v3;
	s28 =	simm.s32 $0x3180  }
0x1b7: {  	[tilespmem:s28], [sflag:$0x1] =	stream.indirect_vreg.gather [hbm4b:s10+s3], $0x80, v4, vm0, $0xb8;
	[tilespmem:$0x18180] =	vst v63  }
0x1b8: {  	s28 =	simm.s32 $0x3980  }
0x1b9: {  	[tilespmem:s28], [sflag:$0x1] =	stream.indirect_vreg.gather [hbm4b:s11+s3], $0x80, v4, vm0, $0xb8;
	[tilespmem:$0x18180] =	vst v63  }
0x1ba: {  	s28 =	simm.s32 $0x4180  }
0x1bb: {  	[tilespmem:s28], [sflag:$0x1] =	stream.indirect_vreg.gather [hbm4b:s1+s3], $0x80, v3, vm0, $0xb8;
	[tilespmem:$0x18180] =	vst v63  }
0x1bc: {  	s28 =	simm.s32 $0x4980  }
0x1bd: {  	[tilespmem:s28], [sflag:$0x1] =	stream.indirect_vreg.gather [hbm4b:s5+s3], $0x80, v3, vm0, $0xb8;
	[tilespmem:$0x18180] =	vst v63  }
0x1be: {  	s28 =	simm.s32 $0x5180  }
0x1bf: {  	[tilespmem:s28], [sflag:$0x1] =	stream.indirect_vreg.gather [hbm4b:s6+s3], $0x80, v3, vm0, $0xb8;
	[tilespmem:$0x18180] =	vst v63  }
0x1c0: {  	s28 =	simm.s32 $0x5980  }
0x1c1: {  	[tilespmem:s28], [sflag:$0x1] =	stream.indirect_vreg.gather [hbm4b:s7+s3], $0x80, v3, vm0, $0xb8;
	[tilespmem:$0x18180] =	vst v63  }
0x1c2: {  	s28 =	simm.s32 $0x6180  }
0x1c3: {  	[tilespmem:s28], [sflag:$0x1] =	stream.indirect_vreg.gather [hbm4b:s8+s3], $0x80, v3, vm0, $0xb8;
	[tilespmem:$0x18180] =	vst v63  }
0x1c4: {  	s28 =	simm.s32 $0x6980  }
0x1c5: {  	[tilespmem:s28], [sflag:$0x1] =	stream.indirect_vreg.gather [hbm4b:s9+s3], $0x80, v3, vm0, $0xb8;
	[tilespmem:$0x18180] =	vst v63  }
0x1c6: {  	s28 =	simm.s32 $0x7180  }
0x1c7: {  	[tilespmem:s28], [sflag:$0x1] =	stream.indirect_vreg.gather [hbm4b:s10+s3], $0x80, v3, vm0, $0xb8;
	[tilespmem:$0x18180] =	vst v63  }
0x1c8: {  	s28 =	simm.s32 $0x7980  }
0x1c9: {  	[tilespmem:s28], [sflag:$0x1] =	stream.indirect_vreg.gather [hbm4b:s11+s3], $0x80, v3, vm0, $0xb8;
	[tilespmem:$0x18180] =	vst v63  }
0x1ca: {  	v3 =	vld.msk [tilespmem:$0xA0], $0xff;
	_ =	sdelay $0x4  }
0x1cb: {  	v45 =	vshll.u32 v3, $0x4  }
0x1cc: {  	v3 =	vand.u32 $0x7, v3;
	v4 =	vand.u32 $0xFFFFFF80, v45  }
0x1cd: {  	v3 =	vor.u32 v3, v4  }
0x1ce: {  	v3 =	vperm.xlane v3, v0;
	_ =	sdelay $0x1  }
0x1cf: {  	v3 =	vadd.s32 v1, v3;
	_ =	sdelay $0x3  }
0x1d0: {  	s28 =	simm.s32 $0x8180  }
0x1d1: {  	[tilespmem:s28], [sflag:$0x1] =	stream.indirect_vreg.gather [hbm4b:s1+s3], $0x80, v3, vm0, $0xb8;
	[tilespmem:$0x18180] =	vst v63  }
0x1d2: {  	s28 =	simm.s32 $0x8980  }
0x1d3: {  	[tilespmem:s28], [sflag:$0x1] =	stream.indirect_vreg.gather [hbm4b:s5+s3], $0x80, v3, vm0, $0xb8;
	[tilespmem:$0x18180] =	vst v63  }
0x1d4: {  	s28 =	simm.s32 $0x9180  }
0x1d5: {  	[tilespmem:s28], [sflag:$0x1] =	stream.indirect_vreg.gather [hbm4b:s6+s3], $0x80, v3, vm0, $0xb8;
	[tilespmem:$0x18180] =	vst v63  }
0x1d6: {  	s28 =	simm.s32 $0x9980  }
0x1d7: {  	[tilespmem:s28], [sflag:$0x1] =	stream.indirect_vreg.gather [hbm4b:s7+s3], $0x80, v3, vm0, $0xb8;
	[tilespmem:$0x18180] =	vst v63  }
0x1d8: {  	s28 =	simm.s32 $0xA180  }
0x1d9: {  	[tilespmem:s28], [sflag:$0x1] =	stream.indirect_vreg.gather [hbm4b:s8+s3], $0x80, v3, vm0, $0xb8;
	[tilespmem:$0x18180] =	vst v63  }
0x1da: {  	_ = 	snop  }
0x1db: {  	[tilespmem:s18], [sflag:$0x1] =	stream.indirect_vreg.gather [hbm4b:s9+s3], $0x80, v3, vm0, $0xb8;
	[tilespmem:$0x18180] =	vst v63  }
0x1dc: {  	s28 =	simm.s32 $0xB180  }
0x1dd: {  	[tilespmem:s28], [sflag:$0x1] =	stream.indirect_vreg.gather [hbm4b:s10+s3], $0x80, v3, vm0, $0xb8;
	[tilespmem:$0x18180] =	vst v63  }
0x1de: {  	_ = 	snop  }
0x1df: {  	[tilespmem:s2], [sflag:$0x1] =	stream.indirect_vreg.gather [hbm4b:s11+s3], $0x80, v3, vm0, $0xb8;
	[tilespmem:$0x18180] =	vst v63  }
0x1e0: {  	_ =	swait.ge [sflag:s25], $0xC000  }
0x1e1: {  	[sflag:s25] =	ssyncset.done $0x0  }
0x1e2: {  	s2 =	simm.s32 $0xC180;
	s0 =	rddreg [dreg:$0x9];
	[sflag:s25] =	ssyncadd.s32 $0xFFFF4000  }
0x1e3: {  	[hbm4b:s0+s3] =	stream.linear.scatter [tilespmem:s2], [sflag:$0x4], $0xC000, $0x38;
	[tilespmem:$0x18180] =	vst v63  }
0x1e4: {  	_ =	swait.ge [sflag:s26], $0xC000  }
0x1e5: {  	[sflag:s26] =	ssyncset.done $0x0  }
0x1e6: {  	[sflag:s26] =	ssyncadd.s32 $0xFFFF4000  }
0x1e7: {  	v3 =	vld [tilespmem:$0xA8];
	_ =	sdelay $0x4  }
0x1e8: {  	v46 =	vshll.u32 v3, $0x4  }
0x1e9: {  	v3 =	vand.u32 $0x7, v3;
	v4 =	vand.u32 $0xFFFFFF80, v46  }
0x1ea: {  	v3 =	vor.u32 v3, v4  }
0x1eb: {  	v4 =	vperm.xlane v3, v0;
	_ =	sdelay $0x1  }
0x1ec: {  	v4 =	vadd.s32 v1, v4;
	_ =	sdelay $0x4  }
0x1ed: {  	[tilespmem:s2], [sflag:$0x2] =	stream.indirect_vreg.gather [hbm4b:s1+s3], $0x80, v4, vm0, $0xb8;
	[tilespmem:$0x18180] =	vst v63  }
0x1ee: {  	_ = 	snop  }
0x1ef: {  	[tilespmem:s12], [sflag:$0x2] =	stream.indirect_vreg.gather [hbm4b:s5+s3], $0x80, v4, vm0, $0xb8;
	[tilespmem:$0x18180] =	vst v63  }
0x1f0: {  	_ = 	snop  }
0x1f1: {  	[tilespmem:s13], [sflag:$0x2] =	stream.indirect_vreg.gather [hbm4b:s6+s3], $0x80, v4, vm0, $0xb8;
	[tilespmem:$0x18180] =	vst v63  }
0x1f2: {  	_ = 	snop  }
0x1f3: {  	[tilespmem:s14], [sflag:$0x2] =	stream.indirect_vreg.gather [hbm4b:s7+s3], $0x80, v4, vm0, $0xb8;
	[tilespmem:$0x18180] =	vst v63  }
0x1f4: {  	s18 =	simm.s32 $0xE180  }
0x1f5: {  	[tilespmem:s18], [sflag:$0x2] =	stream.indirect_vreg.gather [hbm4b:s8+s3], $0x80, v4, vm0, $0xb8;
	[tilespmem:$0x18180] =	vst v63  }
0x1f6: {  	s28 =	simm.s32 $0xE980;
	v3 =	vperm.xlane v3, v2  }
0x1f7: {  	[tilespmem:s28], [sflag:$0x2] =	stream.indirect_vreg.gather [hbm4b:s9+s3], $0x80, v4, vm0, $0xb8;
	[tilespmem:$0x18180] =	vst v63  }
0x1f8: {  	v3 =	vadd.s32 v1, v3  }
0x1f9: {  	[tilespmem:s15], [sflag:$0x2] =	stream.indirect_vreg.gather [hbm4b:s10+s3], $0x80, v4, vm0, $0xb8;
	[tilespmem:$0x18180] =	vst v63  }
0x1fa: {  	_ = 	snop  }
0x1fb: {  	[tilespmem:s16], [sflag:$0x2] =	stream.indirect_vreg.gather [hbm4b:s11+s3], $0x80, v4, vm0, $0xb8;
	[tilespmem:$0x18180] =	vst v63  }
0x1fc: {  	_ = 	snop  }
0x1fd: {  	[tilespmem:s17], [sflag:$0x2] =	stream.indirect_vreg.gather [hbm4b:s1+s3], $0x80, v3, vm0, $0xb8;
	[tilespmem:$0x18180] =	vst v63  }
0x1fe: {  	_ = 	snop  }
0x1ff: {  	[tilespmem:s19], [sflag:$0x2] =	stream.indirect_vreg.gather [hbm4b:s5+s3], $0x80, v3, vm0, $0xb8;
	[tilespmem:$0x18180] =	vst v63  }
0x200: {  	_ = 	snop  }
0x201: {  	[tilespmem:s20], [sflag:$0x2] =	stream.indirect_vreg.gather [hbm4b:s6+s3], $0x80, v3, vm0, $0xb8;
	[tilespmem:$0x18180] =	vst v63  }
0x202: {  	_ = 	snop  }
0x203: {  	[tilespmem:s21], [sflag:$0x2] =	stream.indirect_vreg.gather [hbm4b:s7+s3], $0x80, v3, vm0, $0xb8;
	[tilespmem:$0x18180] =	vst v63  }
0x204: {  	_ = 	snop  }
0x205: {  	[tilespmem:s22], [sflag:$0x2] =	stream.indirect_vreg.gather [hbm4b:s8+s3], $0x80, v3, vm0, $0xb8;
	[tilespmem:$0x18180] =	vst v63  }
0x206: {  	_ = 	snop  }
0x207: {  	[tilespmem:s29], [sflag:$0x2] =	stream.indirect_vreg.gather [hbm4b:s9+s3], $0x80, v3, vm0, $0xb8;
	[tilespmem:$0x18180] =	vst v63  }
0x208: {  	_ = 	snop  }
0x209: {  	[tilespmem:s30], [sflag:$0x2] =	stream.indirect_vreg.gather [hbm4b:s10+s3], $0x80, v3, vm0, $0xb8;
	[tilespmem:$0x18180] =	vst v63  }
0x20a: {  	s2 =	simm.s32 $0x13980  }
0x20b: {  	[tilespmem:s2], [sflag:$0x2] =	stream.indirect_vreg.gather [hbm4b:s11+s3], $0x80, v3, vm0, $0xb8;
	[tilespmem:$0x18180] =	vst v63  }
0x20c: {  	v3 =	vld.msk [tilespmem:$0xB8], $0xff;
	_ =	sdelay $0x4  }
0x20d: {  	v47 =	vshll.u32 v3, $0x4  }
0x20e: {  	v3 =	vand.u32 $0x7, v3;
	v4 =	vand.u32 $0xFFFFFF80, v47  }
0x20f: {  	v3 =	vor.u32 v3, v4  }
0x210: {  	v3 =	vperm.xlane v3, v0;
	_ =	sdelay $0x1  }
0x211: {  	v3 =	vadd.s32 v1, v3;
	_ =	sdelay $0x4  }
0x212: {  	[tilespmem:s31], [sflag:$0x2] =	stream.indirect_vreg.gather [hbm4b:s1+s3], $0x80, v3, vm0, $0xb8;
	[tilespmem:$0x18180] =	vst v63  }
0x213: {  	_ = 	snop  }
0x214: {  	[tilespmem:s4], [sflag:$0x2] =	stream.indirect_vreg.gather [hbm4b:s5+s3], $0x80, v3, vm0, $0xb8;
	[tilespmem:$0x18180] =	vst v63  }
0x215: {  	s4 =	simm.s32 $0x15180  }
0x216: {  	[tilespmem:s4], [sflag:$0x2] =	stream.indirect_vreg.gather [hbm4b:s6+s3], $0x80, v3, vm0, $0xb8;
	[tilespmem:$0x18180] =	vst v63  }
0x217: {  	s12 =	simm.s32 $0x15980  }
0x218: {  	[tilespmem:s12], [sflag:$0x2] =	stream.indirect_vreg.gather [hbm4b:s7+s3], $0x80, v3, vm0, $0xb8;
	[tilespmem:$0x18180] =	vst v63  }
0x219: {  	s13 =	simm.s32 $0x16180  }
0x21a: {  	[tilespmem:s13], [sflag:$0x2] =	stream.indirect_vreg.gather [hbm4b:s8+s3], $0x80, v3, vm0, $0xb8;
	[tilespmem:$0x18180] =	vst v63  }
0x21b: {  	s14 =	simm.s32 $0x16980  }
0x21c: {  	[tilespmem:s14], [sflag:$0x2] =	stream.indirect_vreg.gather [hbm4b:s9+s3], $0x80, v3, vm0, $0xb8;
	[tilespmem:$0x18180] =	vst v63  }
0x21d: {  	s15 =	simm.s32 $0x17180  }
0x21e: {  	[tilespmem:s15], [sflag:$0x2] =	stream.indirect_vreg.gather [hbm4b:s10+s3], $0x80, v3, vm0, $0xb8;
	[tilespmem:$0x18180] =	vst v63  }
0x21f: {  	s16 =	simm.s32 $0x17980  }
0x220: {  	[tilespmem:s16], [sflag:$0x2] =	stream.indirect_vreg.gather [hbm4b:s11+s3], $0x80, v3, vm0, $0xb8;
	[tilespmem:$0x18180] =	vst v63  }
0x221: {  	_ =	swait.ge [sflag:s23], $0xC000  }
0x222: {  	[sflag:s23] =	ssyncset.done $0x0  }
0x223: {  	s19 =	simm.s32 $0x180;
	s17 =	rddreg [dreg:$0xa];
	[sflag:s23] =	ssyncadd.s32 $0xFFFF4000  }
0x224: {  	[hbm4b:s17+s3] =	stream.linear.scatter [tilespmem:s19], [sflag:$0x3], $0xC000, $0x38;
	[tilespmem:$0x18180] =	vst v63  }
0x225: {  	_ =	swait.ge [sflag:s24], $0xC000  }
0x226: {  	[sflag:s24] =	ssyncset.done $0x0  }
0x227: {  	[sflag:s24] =	ssyncadd.s32 $0xFFFF4000  }
0x228: {  	v3 =	vld [tilespmem:$0xC0];
	_ =	sdelay $0x4  }
0x229: {  	v48 =	vshll.u32 v3, $0x4  }
0x22a: {  	v3 =	vand.u32 $0x7, v3;
	v4 =	vand.u32 $0xFFFFFF80, v48  }
0x22b: {  	v3 =	vor.u32 v3, v4  }
0x22c: {  	v4 =	vperm.xlane v3, v0;
	_ =	sdelay $0x1  }
0x22d: {  	v4 =	vadd.s32 v1, v4;
	_ =	sdelay $0x4  }
0x22e: {  	[tilespmem:s19], [sflag:$0x1] =	stream.indirect_vreg.gather [hbm4b:s1+s3], $0x80, v4, vm0, $0xb8;
	[tilespmem:$0x18180] =	vst v63  }
0x22f: {  	s4 =	simm.s32 $0x980  }
0x230: {  	[tilespmem:s4], [sflag:$0x1] =	stream.indirect_vreg.gather [hbm4b:s5+s3], $0x80, v4, vm0, $0xb8;
	[tilespmem:$0x18180] =	vst v63  }
0x231: {  	s20 =	simm.s32 $0x1180  }
0x232: {  	[tilespmem:s20], [sflag:$0x1] =	stream.indirect_vreg.gather [hbm4b:s6+s3], $0x80, v4, vm0, $0xb8;
	[tilespmem:$0x18180] =	vst v63  }
0x233: {  	s21 =	simm.s32 $0x1980  }
0x234: {  	[tilespmem:s21], [sflag:$0x1] =	stream.indirect_vreg.gather [hbm4b:s7+s3], $0x80, v4, vm0, $0xb8;
	[tilespmem:$0x18180] =	vst v63  }
0x235: {  	s22 =	simm.s32 $0x2180  }
0x236: {  	[tilespmem:s22], [sflag:$0x1] =	stream.indirect_vreg.gather [hbm4b:s8+s3], $0x80, v4, vm0, $0xb8;
	[tilespmem:$0x18180] =	vst v63  }
0x237: {  	s28 =	simm.s32 $0x2980;
	v3 =	vperm.xlane v3, v2  }
0x238: {  	[tilespmem:s28], [sflag:$0x1] =	stream.indirect_vreg.gather [hbm4b:s9+s3], $0x80, v4, vm0, $0xb8;
	[tilespmem:$0x18180] =	vst v63  }
0x239: {  	s29 =	simm.s32 $0x3180;
	v3 =	vadd.s32 v1, v3  }
0x23a: {  	[tilespmem:s29], [sflag:$0x1] =	stream.indirect_vreg.gather [hbm4b:s10+s3], $0x80, v4, vm0, $0xb8;
	[tilespmem:$0x18180] =	vst v63  }
0x23b: {  	s30 =	simm.s32 $0x3980  }
0x23c: {  	[tilespmem:s30], [sflag:$0x1] =	stream.indirect_vreg.gather [hbm4b:s11+s3], $0x80, v4, vm0, $0xb8;
	[tilespmem:$0x18180] =	vst v63  }
0x23d: {  	s31 =	simm.s32 $0x4180  }
0x23e: {  	[tilespmem:s31], [sflag:$0x1] =	stream.indirect_vreg.gather [hbm4b:s1+s3], $0x80, v3, vm0, $0xb8;
	[tilespmem:$0x18180] =	vst v63  }
0x23f: {  	s2 =	simm.s32 $0x4980  }
0x240: {  	[tilespmem:s2], [sflag:$0x1] =	stream.indirect_vreg.gather [hbm4b:s5+s3], $0x80, v3, vm0, $0xb8;
	[tilespmem:$0x18180] =	vst v63  }
0x241: {  	s12 =	simm.s32 $0x5180  }
0x242: {  	[tilespmem:s12], [sflag:$0x1] =	stream.indirect_vreg.gather [hbm4b:s6+s3], $0x80, v3, vm0, $0xb8;
	[tilespmem:$0x18180] =	vst v63  }
0x243: {  	s13 =	simm.s32 $0x5980  }
0x244: {  	[tilespmem:s13], [sflag:$0x1] =	stream.indirect_vreg.gather [hbm4b:s7+s3], $0x80, v3, vm0, $0xb8;
	[tilespmem:$0x18180] =	vst v63  }
0x245: {  	s14 =	simm.s32 $0x6180  }
0x246: {  	[tilespmem:s14], [sflag:$0x1] =	stream.indirect_vreg.gather [hbm4b:s8+s3], $0x80, v3, vm0, $0xb8;
	[tilespmem:$0x18180] =	vst v63  }
0x247: {  	s15 =	simm.s32 $0x6980  }
0x248: {  	[tilespmem:s15], [sflag:$0x1] =	stream.indirect_vreg.gather [hbm4b:s9+s3], $0x80, v3, vm0, $0xb8;
	[tilespmem:$0x18180] =	vst v63  }
0x249: {  	s16 =	simm.s32 $0x7180  }
0x24a: {  	[tilespmem:s16], [sflag:$0x1] =	stream.indirect_vreg.gather [hbm4b:s10+s3], $0x80, v3, vm0, $0xb8;
	[tilespmem:$0x18180] =	vst v63  }
0x24b: {  	s17 =	simm.s32 $0x7980  }
0x24c: {  	[tilespmem:s17], [sflag:$0x1] =	stream.indirect_vreg.gather [hbm4b:s11+s3], $0x80, v3, vm0, $0xb8;
	[tilespmem:$0x18180] =	vst v63  }
0x24d: {  	v3 =	vld.msk [tilespmem:$0xD0], $0xff;
	_ =	sdelay $0x4  }
0x24e: {  	v49 =	vshll.u32 v3, $0x4  }
0x24f: {  	v3 =	vand.u32 $0x7, v3;
	v4 =	vand.u32 $0xFFFFFF80, v49  }
0x250: {  	v3 =	vor.u32 v3, v4  }
0x251: {  	v3 =	vperm.xlane v3, v0;
	_ =	sdelay $0x1  }
0x252: {  	v3 =	vadd.s32 v1, v3;
	_ =	sdelay $0x3  }
0x253: {  	s19 =	simm.s32 $0x8180  }
0x254: {  	[tilespmem:s19], [sflag:$0x1] =	stream.indirect_vreg.gather [hbm4b:s1+s3], $0x80, v3, vm0, $0xb8;
	[tilespmem:$0x18180] =	vst v63  }
0x255: {  	s20 =	simm.s32 $0x8980  }
0x256: {  	[tilespmem:s20], [sflag:$0x1] =	stream.indirect_vreg.gather [hbm4b:s5+s3], $0x80, v3, vm0, $0xb8;
	[tilespmem:$0x18180] =	vst v63  }
0x257: {  	s21 =	simm.s32 $0x9180  }
0x258: {  	[tilespmem:s21], [sflag:$0x1] =	stream.indirect_vreg.gather [hbm4b:s6+s3], $0x80, v3, vm0, $0xb8;
	[tilespmem:$0x18180] =	vst v63  }
0x259: {  	s22 =	simm.s32 $0x9980  }
0x25a: {  	[tilespmem:s22], [sflag:$0x1] =	stream.indirect_vreg.gather [hbm4b:s7+s3], $0x80, v3, vm0, $0xb8;
	[tilespmem:$0x18180] =	vst v63  }
0x25b: {  	s28 =	simm.s32 $0xA180  }
0x25c: {  	[tilespmem:s28], [sflag:$0x1] =	stream.indirect_vreg.gather [hbm4b:s8+s3], $0x80, v3, vm0, $0xb8;
	[tilespmem:$0x18180] =	vst v63  }
0x25d: {  	s12 =	simm.s32 $0xA980  }
0x25e: {  	[tilespmem:s12], [sflag:$0x1] =	stream.indirect_vreg.gather [hbm4b:s9+s3], $0x80, v3, vm0, $0xb8;
	[tilespmem:$0x18180] =	vst v63  }
0x25f: {  	s13 =	simm.s32 $0xB180  }
0x260: {  	[tilespmem:s13], [sflag:$0x1] =	stream.indirect_vreg.gather [hbm4b:s10+s3], $0x80, v3, vm0, $0xb8;
	[tilespmem:$0x18180] =	vst v63  }
0x261: {  	s14 =	simm.s32 $0xB980  }
0x262: {  	[tilespmem:s14], [sflag:$0x1] =	stream.indirect_vreg.gather [hbm4b:s11+s3], $0x80, v3, vm0, $0xb8;
	[tilespmem:$0x18180] =	vst v63  }
0x263: {  	_ =	swait.ge [sflag:s25], $0xC000  }
0x264: {  	[sflag:s25] =	ssyncset.done $0x0  }
0x265: {  	s30 =	simm.s32 $0xC180;
	s29 =	rddreg [dreg:$0xb];
	[sflag:s25] =	ssyncadd.s32 $0xFFFF4000  }
0x266: {  	[hbm4b:s29+s3] =	stream.linear.scatter [tilespmem:s30], [sflag:$0x4], $0xC000, $0x38;
	[tilespmem:$0x18180] =	vst v63  }
0x267: {  	_ =	swait.ge [sflag:s26], $0xC000  }
0x268: {  	[sflag:s26] =	ssyncset.done $0x0  }
0x269: {  	[sflag:s26] =	ssyncadd.s32 $0xFFFF4000  }
0x26a: {  	v3 =	vld [tilespmem:$0xD8];
	_ =	sdelay $0x4  }
0x26b: {  	v50 =	vshll.u32 v3, $0x4  }
0x26c: {  	v3 =	vand.u32 $0x7, v3;
	v4 =	vand.u32 $0xFFFFFF80, v50  }
0x26d: {  	v3 =	vor.u32 v3, v4  }
0x26e: {  	v4 =	vperm.xlane v3, v0;
	_ =	sdelay $0x1  }
0x26f: {  	v4 =	vadd.s32 v1, v4;
	_ =	sdelay $0x4  }
0x270: {  	[tilespmem:s30], [sflag:$0x2] =	stream.indirect_vreg.gather [hbm4b:s1+s3], $0x80, v4, vm0, $0xb8;
	[tilespmem:$0x18180] =	vst v63  }
0x271: {  	s15 =	simm.s32 $0xC980  }
0x272: {  	[tilespmem:s15], [sflag:$0x2] =	stream.indirect_vreg.gather [hbm4b:s5+s3], $0x80, v4, vm0, $0xb8;
	[tilespmem:$0x18180] =	vst v63  }
0x273: {  	s16 =	simm.s32 $0xD180  }
0x274: {  	[tilespmem:s16], [sflag:$0x2] =	stream.indirect_vreg.gather [hbm4b:s6+s3], $0x80, v4, vm0, $0xb8;
	[tilespmem:$0x18180] =	vst v63  }
0x275: {  	s17 =	simm.s32 $0xD980  }
0x276: {  	[tilespmem:s17], [sflag:$0x2] =	stream.indirect_vreg.gather [hbm4b:s7+s3], $0x80, v4, vm0, $0xb8;
	[tilespmem:$0x18180] =	vst v63  }
0x277: {  	s18 =	simm.s32 $0xE180  }
0x278: {  	[tilespmem:s18], [sflag:$0x2] =	stream.indirect_vreg.gather [hbm4b:s8+s3], $0x80, v4, vm0, $0xb8;
	[tilespmem:$0x18180] =	vst v63  }
0x279: {  	s31 =	simm.s32 $0xE980;
	v3 =	vperm.xlane v3, v2  }
0x27a: {  	[tilespmem:s31], [sflag:$0x2] =	stream.indirect_vreg.gather [hbm4b:s9+s3], $0x80, v4, vm0, $0xb8;
	[tilespmem:$0x18180] =	vst v63  }
0x27b: {  	v3 =	vadd.s32 v1, v3;
	s18 =	simm.s32 $0xF180  }
0x27c: {  	[tilespmem:s18], [sflag:$0x2] =	stream.indirect_vreg.gather [hbm4b:s10+s3], $0x80, v4, vm0, $0xb8;
	[tilespmem:$0x18180] =	vst v63  }
0x27d: {  	s19 =	simm.s32 $0xF980  }
0x27e: {  	[tilespmem:s19], [sflag:$0x2] =	stream.indirect_vreg.gather [hbm4b:s11+s3], $0x80, v4, vm0, $0xb8;
	[tilespmem:$0x18180] =	vst v63  }
0x27f: {  	s20 =	simm.s32 $0x10180  }
0x280: {  	[tilespmem:s20], [sflag:$0x2] =	stream.indirect_vreg.gather [hbm4b:s1+s3], $0x80, v3, vm0, $0xb8;
	[tilespmem:$0x18180] =	vst v63  }
0x281: {  	s21 =	simm.s32 $0x10980  }
0x282: {  	[tilespmem:s21], [sflag:$0x2] =	stream.indirect_vreg.gather [hbm4b:s5+s3], $0x80, v3, vm0, $0xb8;
	[tilespmem:$0x18180] =	vst v63  }
0x283: {  	s22 =	simm.s32 $0x11180  }
0x284: {  	[tilespmem:s22], [sflag:$0x2] =	stream.indirect_vreg.gather [hbm4b:s6+s3], $0x80, v3, vm0, $0xb8;
	[tilespmem:$0x18180] =	vst v63  }
0x285: {  	s29 =	simm.s32 $0x11980  }
0x286: {  	[tilespmem:s29], [sflag:$0x2] =	stream.indirect_vreg.gather [hbm4b:s7+s3], $0x80, v3, vm0, $0xb8;
	[tilespmem:$0x18180] =	vst v63  }
0x287: {  	s30 =	simm.s32 $0x12180  }
0x288: {  	[tilespmem:s30], [sflag:$0x2] =	stream.indirect_vreg.gather [hbm4b:s8+s3], $0x80, v3, vm0, $0xb8;
	[tilespmem:$0x18180] =	vst v63  }
0x289: {  	s31 =	simm.s32 $0x12980  }
0x28a: {  	[tilespmem:s31], [sflag:$0x2] =	stream.indirect_vreg.gather [hbm4b:s9+s3], $0x80, v3, vm0, $0xb8;
	[tilespmem:$0x18180] =	vst v63  }
0x28b: {  	s2 =	simm.s32 $0x13180  }
0x28c: {  	[tilespmem:s2], [sflag:$0x2] =	stream.indirect_vreg.gather [hbm4b:s10+s3], $0x80, v3, vm0, $0xb8;
	[tilespmem:$0x18180] =	vst v63  }
0x28d: {  	s28 =	simm.s32 $0x13980  }
0x28e: {  	[tilespmem:s28], [sflag:$0x2] =	stream.indirect_vreg.gather [hbm4b:s11+s3], $0x80, v3, vm0, $0xb8;
	[tilespmem:$0x18180] =	vst v63  }
0x28f: {  	v3 =	vld.msk [tilespmem:$0xE8], $0xff;
	_ =	sdelay $0x4  }
0x290: {  	v51 =	vshll.u32 v3, $0x4  }
0x291: {  	v3 =	vand.u32 $0x7, v3;
	v4 =	vand.u32 $0xFFFFFF80, v51  }
0x292: {  	v3 =	vor.u32 v3, v4  }
0x293: {  	v3 =	vperm.xlane v3, v0;
	_ =	sdelay $0x1  }
0x294: {  	v3 =	vadd.s32 v1, v3;
	_ =	sdelay $0x3  }
0x295: {  	s2 =	simm.s32 $0x14180  }
0x296: {  	[tilespmem:s2], [sflag:$0x2] =	stream.indirect_vreg.gather [hbm4b:s1+s3], $0x80, v3, vm0, $0xb8;
	[tilespmem:$0x18180] =	vst v63  }
0x297: {  	s28 =	simm.s32 $0x14980  }
0x298: {  	[tilespmem:s28], [sflag:$0x2] =	stream.indirect_vreg.gather [hbm4b:s5+s3], $0x80, v3, vm0, $0xb8;
	[tilespmem:$0x18180] =	vst v63  }
0x299: {  	s2 =	simm.s32 $0x15180  }
0x29a: {  	[tilespmem:s2], [sflag:$0x2] =	stream.indirect_vreg.gather [hbm4b:s6+s3], $0x80, v3, vm0, $0xb8;
	[tilespmem:$0x18180] =	vst v63  }
0x29b: {  	s28 =	simm.s32 $0x15980  }
0x29c: {  	[tilespmem:s28], [sflag:$0x2] =	stream.indirect_vreg.gather [hbm4b:s7+s3], $0x80, v3, vm0, $0xb8;
	[tilespmem:$0x18180] =	vst v63  }
0x29d: {  	s2 =	simm.s32 $0x16180  }
0x29e: {  	[tilespmem:s2], [sflag:$0x2] =	stream.indirect_vreg.gather [hbm4b:s8+s3], $0x80, v3, vm0, $0xb8;
	[tilespmem:$0x18180] =	vst v63  }
0x29f: {  	s28 =	simm.s32 $0x16980  }
0x2a0: {  	[tilespmem:s28], [sflag:$0x2] =	stream.indirect_vreg.gather [hbm4b:s9+s3], $0x80, v3, vm0, $0xb8;
	[tilespmem:$0x18180] =	vst v63  }
0x2a1: {  	s2 =	simm.s32 $0x17180  }
0x2a2: {  	[tilespmem:s2], [sflag:$0x2] =	stream.indirect_vreg.gather [hbm4b:s10+s3], $0x80, v3, vm0, $0xb8;
	[tilespmem:$0x18180] =	vst v63  }
0x2a3: {  	s28 =	simm.s32 $0x17980  }
0x2a4: {  	[tilespmem:s28], [sflag:$0x2] =	stream.indirect_vreg.gather [hbm4b:s11+s3], $0x80, v3, vm0, $0xb8;
	[tilespmem:$0x18180] =	vst v63  }
0x2a5: {  	_ =	swait.ge [sflag:s23], $0xC000  }
0x2a6: {  	[sflag:s23] =	ssyncset.done $0x0  }
0x2a7: {  	s2 =	simm.s32 $0x180;
	s0 =	rddreg [dreg:$0xc];
	[sflag:s23] =	ssyncadd.s32 $0xFFFF4000  }
0x2a8: {  	[hbm4b:s0+s3] =	stream.linear.scatter [tilespmem:s2], [sflag:$0x3], $0xC000, $0x38;
	[tilespmem:$0x18180] =	vst v63  }
0x2a9: {  	_ =	swait.ge [sflag:s24], $0xC000  }
0x2aa: {  	[sflag:s24] =	ssyncset.done $0x0  }
0x2ab: {  	[sflag:s24] =	ssyncadd.s32 $0xFFFF4000  }
0x2ac: {  	v3 =	vld [tilespmem:$0xF0];
	_ =	sdelay $0x4  }
0x2ad: {  	v52 =	vshll.u32 v3, $0x4  }
0x2ae: {  	v3 =	vand.u32 $0x7, v3;
	v4 =	vand.u32 $0xFFFFFF80, v52  }
0x2af: {  	v3 =	vor.u32 v3, v4  }
0x2b0: {  	v4 =	vperm.xlane v3, v0;
	_ =	sdelay $0x1  }
0x2b1: {  	v4 =	vadd.s32 v1, v4;
	_ =	sdelay $0x4  }
0x2b2: {  	[tilespmem:s2], [sflag:$0x1] =	stream.indirect_vreg.gather [hbm4b:s1+s3], $0x80, v4, vm0, $0xb8;
	[tilespmem:$0x18180] =	vst v63  }
0x2b3: {  	_ = 	snop  }
0x2b4: {  	[tilespmem:s4], [sflag:$0x1] =	stream.indirect_vreg.gather [hbm4b:s5+s3], $0x80, v4, vm0, $0xb8;
	[tilespmem:$0x18180] =	vst v63  }
0x2b5: {  	s4 =	simm.s32 $0x1180  }
0x2b6: {  	[tilespmem:s4], [sflag:$0x1] =	stream.indirect_vreg.gather [hbm4b:s6+s3], $0x80, v4, vm0, $0xb8;
	[tilespmem:$0x18180] =	vst v63  }
0x2b7: {  	s28 =	simm.s32 $0x1980  }
0x2b8: {  	[tilespmem:s28], [sflag:$0x1] =	stream.indirect_vreg.gather [hbm4b:s7+s3], $0x80, v4, vm0, $0xb8;
	[tilespmem:$0x18180] =	vst v63  }
0x2b9: {  	s28 =	simm.s32 $0x2180  }
0x2ba: {  	[tilespmem:s28], [sflag:$0x1] =	stream.indirect_vreg.gather [hbm4b:s8+s3], $0x80, v4, vm0, $0xb8;
	[tilespmem:$0x18180] =	vst v63  }
0x2bb: {  	v3 =	vperm.xlane v3, v2;
	s28 =	simm.s32 $0x2980  }
0x2bc: {  	[tilespmem:s28], [sflag:$0x1] =	stream.indirect_vreg.gather [hbm4b:s9+s3], $0x80, v4, vm0, $0xb8;
	[tilespmem:$0x18180] =	vst v63  }
0x2bd: {  	s0 =	simm.s32 $0x3180;
	v3 =	vadd.s32 v1, v3  }
0x2be: {  	[tilespmem:s0], [sflag:$0x1] =	stream.indirect_vreg.gather [hbm4b:s10+s3], $0x80, v4, vm0, $0xb8;
	[tilespmem:$0x18180] =	vst v63  }
0x2bf: {  	s0 =	simm.s32 $0x3980  }
0x2c0: {  	[tilespmem:s0], [sflag:$0x1] =	stream.indirect_vreg.gather [hbm4b:s11+s3], $0x80, v4, vm0, $0xb8;
	[tilespmem:$0x18180] =	vst v63  }
0x2c1: {  	s0 =	simm.s32 $0x4180  }
0x2c2: {  	[tilespmem:s0], [sflag:$0x1] =	stream.indirect_vreg.gather [hbm4b:s1+s3], $0x80, v3, vm0, $0xb8;
	[tilespmem:$0x18180] =	vst v63  }
0x2c3: {  	s0 =	simm.s32 $0x4980  }
0x2c4: {  	[tilespmem:s0], [sflag:$0x1] =	stream.indirect_vreg.gather [hbm4b:s5+s3], $0x80, v3, vm0, $0xb8;
	[tilespmem:$0x18180] =	vst v63  }
0x2c5: {  	s0 =	simm.s32 $0x5180  }
0x2c6: {  	[tilespmem:s0], [sflag:$0x1] =	stream.indirect_vreg.gather [hbm4b:s6+s3], $0x80, v3, vm0, $0xb8;
	[tilespmem:$0x18180] =	vst v63  }
0x2c7: {  	s0 =	simm.s32 $0x5980  }
0x2c8: {  	[tilespmem:s0], [sflag:$0x1] =	stream.indirect_vreg.gather [hbm4b:s7+s3], $0x80, v3, vm0, $0xb8;
	[tilespmem:$0x18180] =	vst v63  }
0x2c9: {  	s0 =	simm.s32 $0x6180  }
0x2ca: {  	[tilespmem:s0], [sflag:$0x1] =	stream.indirect_vreg.gather [hbm4b:s8+s3], $0x80, v3, vm0, $0xb8;
	[tilespmem:$0x18180] =	vst v63  }
0x2cb: {  	s0 =	simm.s32 $0x6980  }
0x2cc: {  	[tilespmem:s0], [sflag:$0x1] =	stream.indirect_vreg.gather [hbm4b:s9+s3], $0x80, v3, vm0, $0xb8;
	[tilespmem:$0x18180] =	vst v63  }
0x2cd: {  	s0 =	simm.s32 $0x7180  }
0x2ce: {  	[tilespmem:s0], [sflag:$0x1] =	stream.indirect_vreg.gather [hbm4b:s10+s3], $0x80, v3, vm0, $0xb8;
	[tilespmem:$0x18180] =	vst v63  }
0x2cf: {  	s0 =	simm.s32 $0x7980  }
0x2d0: {  	[tilespmem:s0], [sflag:$0x1] =	stream.indirect_vreg.gather [hbm4b:s11+s3], $0x80, v3, vm0, $0xb8;
	[tilespmem:$0x18180] =	vst v63  }
0x2d1: {  	v3 =	vld.msk [tilespmem:$0x100], $0xff;
	_ =	sdelay $0x4  }
0x2d2: {  	v53 =	vshll.u32 v3, $0x4  }
0x2d3: {  	v3 =	vand.u32 $0x7, v3;
	v4 =	vand.u32 $0xFFFFFF80, v53  }
0x2d4: {  	v3 =	vor.u32 v3, v4  }
0x2d5: {  	v3 =	vperm.xlane v3, v0;
	_ =	sdelay $0x1  }
0x2d6: {  	v3 =	vadd.s32 v1, v3;
	_ =	sdelay $0x3  }
0x2d7: {  	s0 =	simm.s32 $0x8180  }
0x2d8: {  	[tilespmem:s0], [sflag:$0x1] =	stream.indirect_vreg.gather [hbm4b:s1+s3], $0x80, v3, vm0, $0xb8;
	[tilespmem:$0x18180] =	vst v63  }
0x2d9: {  	s0 =	simm.s32 $0x8980  }
0x2da: {  	[tilespmem:s0], [sflag:$0x1] =	stream.indirect_vreg.gather [hbm4b:s5+s3], $0x80, v3, vm0, $0xb8;
	[tilespmem:$0x18180] =	vst v63  }
0x2db: {  	s0 =	simm.s32 $0x9180  }
0x2dc: {  	[tilespmem:s0], [sflag:$0x1] =	stream.indirect_vreg.gather [hbm4b:s6+s3], $0x80, v3, vm0, $0xb8;
	[tilespmem:$0x18180] =	vst v63  }
0x2dd: {  	s0 =	simm.s32 $0x9980  }
0x2de: {  	[tilespmem:s0], [sflag:$0x1] =	stream.indirect_vreg.gather [hbm4b:s7+s3], $0x80, v3, vm0, $0xb8;
	[tilespmem:$0x18180] =	vst v63  }
0x2df: {  	s0 =	simm.s32 $0xA180  }
0x2e0: {  	[tilespmem:s0], [sflag:$0x1] =	stream.indirect_vreg.gather [hbm4b:s8+s3], $0x80, v3, vm0, $0xb8;
	[tilespmem:$0x18180] =	vst v63  }
0x2e1: {  	_ = 	snop  }
0x2e2: {  	[tilespmem:s12], [sflag:$0x1] =	stream.indirect_vreg.gather [hbm4b:s9+s3], $0x80, v3, vm0, $0xb8;
	[tilespmem:$0x18180] =	vst v63  }
0x2e3: {  	_ = 	snop  }
0x2e4: {  	[tilespmem:s13], [sflag:$0x1] =	stream.indirect_vreg.gather [hbm4b:s10+s3], $0x80, v3, vm0, $0xb8;
	[tilespmem:$0x18180] =	vst v63  }
0x2e5: {  	_ = 	snop  }
0x2e6: {  	[tilespmem:s14], [sflag:$0x1] =	stream.indirect_vreg.gather [hbm4b:s11+s3], $0x80, v3, vm0, $0xb8;
	[tilespmem:$0x18180] =	vst v63  }
0x2e7: {  	_ =	swait.ge [sflag:s25], $0xC000  }
0x2e8: {  	[sflag:s25] =	ssyncset.done $0x0  }
0x2e9: {  	s14 =	simm.s32 $0xC180;
	s12 =	rddreg [dreg:$0xd];
	[sflag:s25] =	ssyncadd.s32 $0xFFFF4000  }
0x2ea: {  	[hbm4b:s12+s3] =	stream.linear.scatter [tilespmem:s14], [sflag:$0x4], $0xC000, $0x38;
	[tilespmem:$0x18180] =	vst v63  }
0x2eb: {  	_ =	swait.ge [sflag:s26], $0xC000  }
0x2ec: {  	[sflag:s26] =	ssyncset.done $0x0  }
0x2ed: {  	[sflag:s26] =	ssyncadd.s32 $0xFFFF4000  }
0x2ee: {  	v3 =	vld [tilespmem:$0x108];
	_ =	sdelay $0x4  }
0x2ef: {  	v54 =	vshll.u32 v3, $0x4  }
0x2f0: {  	v3 =	vand.u32 $0x7, v3;
	v4 =	vand.u32 $0xFFFFFF80, v54  }
0x2f1: {  	v3 =	vor.u32 v3, v4  }
0x2f2: {  	v4 =	vperm.xlane v3, v0;
	_ =	sdelay $0x1  }
0x2f3: {  	v4 =	vadd.s32 v1, v4;
	_ =	sdelay $0x4  }
0x2f4: {  	[tilespmem:s14], [sflag:$0x2] =	stream.indirect_vreg.gather [hbm4b:s1+s3], $0x80, v4, vm0, $0xb8;
	[tilespmem:$0x18180] =	vst v63  }
0x2f5: {  	_ = 	snop  }
0x2f6: {  	[tilespmem:s15], [sflag:$0x2] =	stream.indirect_vreg.gather [hbm4b:s5+s3], $0x80, v4, vm0, $0xb8;
	[tilespmem:$0x18180] =	vst v63  }
0x2f7: {  	_ = 	snop  }
0x2f8: {  	[tilespmem:s16], [sflag:$0x2] =	stream.indirect_vreg.gather [hbm4b:s6+s3], $0x80, v4, vm0, $0xb8;
	[tilespmem:$0x18180] =	vst v63  }
0x2f9: {  	_ = 	snop  }
0x2fa: {  	[tilespmem:s17], [sflag:$0x2] =	stream.indirect_vreg.gather [hbm4b:s7+s3], $0x80, v4, vm0, $0xb8;
	[tilespmem:$0x18180] =	vst v63  }
0x2fb: {  	s12 =	simm.s32 $0xE180  }
0x2fc: {  	[tilespmem:s12], [sflag:$0x2] =	stream.indirect_vreg.gather [hbm4b:s8+s3], $0x80, v4, vm0, $0xb8;
	[tilespmem:$0x18180] =	vst v63  }
0x2fd: {  	v3 =	vperm.xlane v3, v2;
	s17 =	simm.s32 $0xE980  }
0x2fe: {  	[tilespmem:s17], [sflag:$0x2] =	stream.indirect_vreg.gather [hbm4b:s9+s3], $0x80, v4, vm0, $0xb8;
	[tilespmem:$0x18180] =	vst v63  }
0x2ff: {  	v3 =	vadd.s32 v1, v3  }
0x300: {  	[tilespmem:s18], [sflag:$0x2] =	stream.indirect_vreg.gather [hbm4b:s10+s3], $0x80, v4, vm0, $0xb8;
	[tilespmem:$0x18180] =	vst v63  }
0x301: {  	_ = 	snop  }
0x302: {  	[tilespmem:s19], [sflag:$0x2] =	stream.indirect_vreg.gather [hbm4b:s11+s3], $0x80, v4, vm0, $0xb8;
	[tilespmem:$0x18180] =	vst v63  }
0x303: {  	_ = 	snop  }
0x304: {  	[tilespmem:s20], [sflag:$0x2] =	stream.indirect_vreg.gather [hbm4b:s1+s3], $0x80, v3, vm0, $0xb8;
	[tilespmem:$0x18180] =	vst v63  }
0x305: {  	_ = 	snop  }
0x306: {  	[tilespmem:s21], [sflag:$0x2] =	stream.indirect_vreg.gather [hbm4b:s5+s3], $0x80, v3, vm0, $0xb8;
	[tilespmem:$0x18180] =	vst v63  }
0x307: {  	_ = 	snop  }
0x308: {  	[tilespmem:s22], [sflag:$0x2] =	stream.indirect_vreg.gather [hbm4b:s6+s3], $0x80, v3, vm0, $0xb8;
	[tilespmem:$0x18180] =	vst v63  }
0x309: {  	_ = 	snop  }
0x30a: {  	[tilespmem:s29], [sflag:$0x2] =	stream.indirect_vreg.gather [hbm4b:s7+s3], $0x80, v3, vm0, $0xb8;
	[tilespmem:$0x18180] =	vst v63  }
0x30b: {  	_ = 	snop  }
0x30c: {  	[tilespmem:s30], [sflag:$0x2] =	stream.indirect_vreg.gather [hbm4b:s8+s3], $0x80, v3, vm0, $0xb8;
	[tilespmem:$0x18180] =	vst v63  }
0x30d: {  	_ = 	snop  }
0x30e: {  	[tilespmem:s31], [sflag:$0x2] =	stream.indirect_vreg.gather [hbm4b:s9+s3], $0x80, v3, vm0, $0xb8;
	[tilespmem:$0x18180] =	vst v63  }
0x30f: {  	s22 =	simm.s32 $0x13180  }
0x310: {  	[tilespmem:s22], [sflag:$0x2] =	stream.indirect_vreg.gather [hbm4b:s10+s3], $0x80, v3, vm0, $0xb8;
	[tilespmem:$0x18180] =	vst v63  }
0x311: {  	s28 =	simm.s32 $0x13980  }
0x312: {  	[tilespmem:s28], [sflag:$0x2] =	stream.indirect_vreg.gather [hbm4b:s11+s3], $0x80, v3, vm0, $0xb8;
	[tilespmem:$0x18180] =	vst v63  }
0x313: {  	v3 =	vld.msk [tilespmem:$0x118], $0xff;
	_ =	sdelay $0x4  }
0x314: {  	v55 =	vshll.u32 v3, $0x4  }
0x315: {  	v3 =	vand.u32 $0x7, v3;
	v4 =	vand.u32 $0xFFFFFF80, v55  }
0x316: {  	v3 =	vor.u32 v3, v4  }
0x317: {  	v3 =	vperm.xlane v3, v0;
	_ =	sdelay $0x1  }
0x318: {  	v3 =	vadd.s32 v1, v3;
	_ =	sdelay $0x3  }
0x319: {  	s29 =	simm.s32 $0x14180  }
0x31a: {  	[tilespmem:s29], [sflag:$0x2] =	stream.indirect_vreg.gather [hbm4b:s1+s3], $0x80, v3, vm0, $0xb8;
	[tilespmem:$0x18180] =	vst v63  }
0x31b: {  	s30 =	simm.s32 $0x14980  }
0x31c: {  	[tilespmem:s30], [sflag:$0x2] =	stream.indirect_vreg.gather [hbm4b:s5+s3], $0x80, v3, vm0, $0xb8;
	[tilespmem:$0x18180] =	vst v63  }
0x31d: {  	s31 =	simm.s32 $0x15180  }
0x31e: {  	[tilespmem:s31], [sflag:$0x2] =	stream.indirect_vreg.gather [hbm4b:s6+s3], $0x80, v3, vm0, $0xb8;
	[tilespmem:$0x18180] =	vst v63  }
0x31f: {  	s15 =	simm.s32 $0x15980  }
0x320: {  	[tilespmem:s15], [sflag:$0x2] =	stream.indirect_vreg.gather [hbm4b:s7+s3], $0x80, v3, vm0, $0xb8;
	[tilespmem:$0x18180] =	vst v63  }
0x321: {  	s17 =	simm.s32 $0x16180  }
0x322: {  	[tilespmem:s17], [sflag:$0x2] =	stream.indirect_vreg.gather [hbm4b:s8+s3], $0x80, v3, vm0, $0xb8;
	[tilespmem:$0x18180] =	vst v63  }
0x323: {  	s19 =	simm.s32 $0x16980  }
0x324: {  	[tilespmem:s19], [sflag:$0x2] =	stream.indirect_vreg.gather [hbm4b:s9+s3], $0x80, v3, vm0, $0xb8;
	[tilespmem:$0x18180] =	vst v63  }
0x325: {  	s20 =	simm.s32 $0x17180  }
0x326: {  	[tilespmem:s20], [sflag:$0x2] =	stream.indirect_vreg.gather [hbm4b:s10+s3], $0x80, v3, vm0, $0xb8;
	[tilespmem:$0x18180] =	vst v63  }
0x327: {  	s21 =	simm.s32 $0x17980  }
0x328: {  	[tilespmem:s21], [sflag:$0x2] =	stream.indirect_vreg.gather [hbm4b:s11+s3], $0x80, v3, vm0, $0xb8;
	[tilespmem:$0x18180] =	vst v63  }
0x329: {  	_ =	swait.ge [sflag:s23], $0xC000  }
0x32a: {  	[sflag:s23] =	ssyncset.done $0x0  }
0x32b: {  	s2 =	simm.s32 $0x180;
	s22 =	rddreg [dreg:$0xe];
	[sflag:s23] =	ssyncadd.s32 $0xFFFF4000  }
0x32c: {  	[hbm4b:s22+s3] =	stream.linear.scatter [tilespmem:s2], [sflag:$0x3], $0xC000, $0x38;
	[tilespmem:$0x18180] =	vst v63  }
0x32d: {  	_ =	swait.ge [sflag:s24], $0xC000  }
0x32e: {  	[sflag:s24] =	ssyncset.done $0x0  }
0x32f: {  	[sflag:s24] =	ssyncadd.s32 $0xFFFF4000  }
0x330: {  	v3 =	vld [tilespmem:$0x120];
	_ =	sdelay $0x4  }
0x331: {  	v56 =	vshll.u32 v3, $0x4  }
0x332: {  	v3 =	vand.u32 $0x7, v3;
	v4 =	vand.u32 $0xFFFFFF80, v56  }
0x333: {  	v3 =	vor.u32 v3, v4  }
0x334: {  	v4 =	vperm.xlane v3, v0;
	_ =	sdelay $0x1  }
0x335: {  	v4 =	vadd.s32 v1, v4;
	_ =	sdelay $0x4  }
0x336: {  	[tilespmem:s2], [sflag:$0x1] =	stream.indirect_vreg.gather [hbm4b:s1+s3], $0x80, v4, vm0, $0xb8;
	[tilespmem:$0x18180] =	vst v63  }
0x337: {  	s15 =	simm.s32 $0x980  }
0x338: {  	[tilespmem:s15], [sflag:$0x1] =	stream.indirect_vreg.gather [hbm4b:s5+s3], $0x80, v4, vm0, $0xb8;
	[tilespmem:$0x18180] =	vst v63  }
0x339: {  	_ = 	snop  }
0x33a: {  	[tilespmem:s4], [sflag:$0x1] =	stream.indirect_vreg.gather [hbm4b:s6+s3], $0x80, v4, vm0, $0xb8;
	[tilespmem:$0x18180] =	vst v63  }
0x33b: {  	s28 =	simm.s32 $0x1980  }
0x33c: {  	[tilespmem:s28], [sflag:$0x1] =	stream.indirect_vreg.gather [hbm4b:s7+s3], $0x80, v4, vm0, $0xb8;
	[tilespmem:$0x18180] =	vst v63  }
0x33d: {  	s29 =	simm.s32 $0x2180  }
0x33e: {  	[tilespmem:s29], [sflag:$0x1] =	stream.indirect_vreg.gather [hbm4b:s8+s3], $0x80, v4, vm0, $0xb8;
	[tilespmem:$0x18180] =	vst v63  }
0x33f: {  	s30 =	simm.s32 $0x2980;
	v3 =	vperm.xlane v3, v2  }
0x340: {  	[tilespmem:s30], [sflag:$0x1] =	stream.indirect_vreg.gather [hbm4b:s9+s3], $0x80, v4, vm0, $0xb8;
	[tilespmem:$0x18180] =	vst v63  }
0x341: {  	s31 =	simm.s32 $0x3180;
	v3 =	vadd.s32 v1, v3  }
0x342: {  	[tilespmem:s31], [sflag:$0x1] =	stream.indirect_vreg.gather [hbm4b:s10+s3], $0x80, v4, vm0, $0xb8;
	[tilespmem:$0x18180] =	vst v63  }
0x343: {  	s4 =	simm.s32 $0x3980  }
0x344: {  	[tilespmem:s4], [sflag:$0x1] =	stream.indirect_vreg.gather [hbm4b:s11+s3], $0x80, v4, vm0, $0xb8;
	[tilespmem:$0x18180] =	vst v63  }
0x345: {  	s14 =	simm.s32 $0x4180  }
0x346: {  	[tilespmem:s14], [sflag:$0x1] =	stream.indirect_vreg.gather [hbm4b:s1+s3], $0x80, v3, vm0, $0xb8;
	[tilespmem:$0x18180] =	vst v63  }
0x347: {  	s17 =	simm.s32 $0x4980  }
0x348: {  	[tilespmem:s17], [sflag:$0x1] =	stream.indirect_vreg.gather [hbm4b:s5+s3], $0x80, v3, vm0, $0xb8;
	[tilespmem:$0x18180] =	vst v63  }
0x349: {  	s19 =	simm.s32 $0x5180  }
0x34a: {  	[tilespmem:s19], [sflag:$0x1] =	stream.indirect_vreg.gather [hbm4b:s6+s3], $0x80, v3, vm0, $0xb8;
	[tilespmem:$0x18180] =	vst v63  }
0x34b: {  	s20 =	simm.s32 $0x5980  }
0x34c: {  	[tilespmem:s20], [sflag:$0x1] =	stream.indirect_vreg.gather [hbm4b:s7+s3], $0x80, v3, vm0, $0xb8;
	[tilespmem:$0x18180] =	vst v63  }
0x34d: {  	s21 =	simm.s32 $0x6180  }
0x34e: {  	[tilespmem:s21], [sflag:$0x1] =	stream.indirect_vreg.gather [hbm4b:s8+s3], $0x80, v3, vm0, $0xb8;
	[tilespmem:$0x18180] =	vst v63  }
0x34f: {  	s22 =	simm.s32 $0x6980  }
0x350: {  	[tilespmem:s22], [sflag:$0x1] =	stream.indirect_vreg.gather [hbm4b:s9+s3], $0x80, v3, vm0, $0xb8;
	[tilespmem:$0x18180] =	vst v63  }
0x351: {  	s28 =	simm.s32 $0x7180  }
0x352: {  	[tilespmem:s28], [sflag:$0x1] =	stream.indirect_vreg.gather [hbm4b:s10+s3], $0x80, v3, vm0, $0xb8;
	[tilespmem:$0x18180] =	vst v63  }
0x353: {  	s29 =	simm.s32 $0x7980  }
0x354: {  	[tilespmem:s29], [sflag:$0x1] =	stream.indirect_vreg.gather [hbm4b:s11+s3], $0x80, v3, vm0, $0xb8;
	[tilespmem:$0x18180] =	vst v63  }
0x355: {  	v3 =	vld.msk [tilespmem:$0x130], $0xff;
	_ =	sdelay $0x4  }
0x356: {  	v57 =	vshll.u32 v3, $0x4  }
0x357: {  	v3 =	vand.u32 $0x7, v3;
	v4 =	vand.u32 $0xFFFFFF80, v57  }
0x358: {  	v3 =	vor.u32 v3, v4  }
0x359: {  	v3 =	vperm.xlane v3, v0;
	_ =	sdelay $0x1  }
0x35a: {  	v3 =	vadd.s32 v1, v3;
	_ =	sdelay $0x3  }
0x35b: {  	s30 =	simm.s32 $0x8180  }
0x35c: {  	[tilespmem:s30], [sflag:$0x1] =	stream.indirect_vreg.gather [hbm4b:s1+s3], $0x80, v3, vm0, $0xb8;
	[tilespmem:$0x18180] =	vst v63  }
0x35d: {  	s31 =	simm.s32 $0x8980  }
0x35e: {  	[tilespmem:s31], [sflag:$0x1] =	stream.indirect_vreg.gather [hbm4b:s5+s3], $0x80, v3, vm0, $0xb8;
	[tilespmem:$0x18180] =	vst v63  }
0x35f: {  	s2 =	simm.s32 $0x9180  }
0x360: {  	[tilespmem:s2], [sflag:$0x1] =	stream.indirect_vreg.gather [hbm4b:s6+s3], $0x80, v3, vm0, $0xb8;
	[tilespmem:$0x18180] =	vst v63  }
0x361: {  	s4 =	simm.s32 $0x9980  }
0x362: {  	[tilespmem:s4], [sflag:$0x1] =	stream.indirect_vreg.gather [hbm4b:s7+s3], $0x80, v3, vm0, $0xb8;
	[tilespmem:$0x18180] =	vst v63  }
0x363: {  	s14 =	simm.s32 $0xA180  }
0x364: {  	[tilespmem:s14], [sflag:$0x1] =	stream.indirect_vreg.gather [hbm4b:s8+s3], $0x80, v3, vm0, $0xb8;
	[tilespmem:$0x18180] =	vst v63  }
0x365: {  	s2 =	simm.s32 $0xA980  }
0x366: {  	[tilespmem:s2], [sflag:$0x1] =	stream.indirect_vreg.gather [hbm4b:s9+s3], $0x80, v3, vm0, $0xb8;
	[tilespmem:$0x18180] =	vst v63  }
0x367: {  	s14 =	simm.s32 $0xB180  }
0x368: {  	[tilespmem:s14], [sflag:$0x1] =	stream.indirect_vreg.gather [hbm4b:s10+s3], $0x80, v3, vm0, $0xb8;
	[tilespmem:$0x18180] =	vst v63  }
0x369: {  	s13 =	simm.s32 $0xB980  }
0x36a: {  	[tilespmem:s13], [sflag:$0x1] =	stream.indirect_vreg.gather [hbm4b:s11+s3], $0x80, v3, vm0, $0xb8;
	[tilespmem:$0x18180] =	vst v63  }
0x36b: {  	_ =	swait.ge [sflag:s25], $0xC000  }
0x36c: {  	[sflag:s25] =	ssyncset.done $0x0  }
0x36d: {  	s0 =	simm.s32 $0xC180;
	s17 =	rddreg [dreg:$0xf];
	[sflag:s25] =	ssyncadd.s32 $0xFFFF4000  }
0x36e: {  	[hbm4b:s17+s3] =	stream.linear.scatter [tilespmem:s0], [sflag:$0x4], $0xC000, $0x38;
	[tilespmem:$0x18180] =	vst v63  }
0x36f: {  	_ =	swait.ge [sflag:s26], $0xC000  }
0x370: {  	[sflag:s26] =	ssyncset.done $0x0  }
0x371: {  	[sflag:s26] =	ssyncadd.s32 $0xFFFF4000  }
0x372: {  	v3 =	vld [tilespmem:$0x138];
	_ =	sdelay $0x4  }
0x373: {  	v58 =	vshll.u32 v3, $0x4  }
0x374: {  	v3 =	vand.u32 $0x7, v3;
	v4 =	vand.u32 $0xFFFFFF80, v58  }
0x375: {  	v3 =	vor.u32 v3, v4  }
0x376: {  	v4 =	vperm.xlane v3, v0;
	_ =	sdelay $0x1  }
0x377: {  	v4 =	vadd.s32 v1, v4;
	_ =	sdelay $0x4  }
0x378: {  	[tilespmem:s0], [sflag:$0x2] =	stream.indirect_vreg.gather [hbm4b:s1+s3], $0x80, v4, vm0, $0xb8;
	[tilespmem:$0x18180] =	vst v63  }
0x379: {  	s17 =	simm.s32 $0xC980  }
0x37a: {  	[tilespmem:s17], [sflag:$0x2] =	stream.indirect_vreg.gather [hbm4b:s5+s3], $0x80, v4, vm0, $0xb8;
	[tilespmem:$0x18180] =	vst v63  }
0x37b: {  	s4 =	simm.s32 $0xD180  }
0x37c: {  	[tilespmem:s4], [sflag:$0x2] =	stream.indirect_vreg.gather [hbm4b:s6+s3], $0x80, v4, vm0, $0xb8;
	[tilespmem:$0x18180] =	vst v63  }
0x37d: {  	s4 =	simm.s32 $0xD980  }
0x37e: {  	[tilespmem:s4], [sflag:$0x2] =	stream.indirect_vreg.gather [hbm4b:s7+s3], $0x80, v4, vm0, $0xb8;
	[tilespmem:$0x18180] =	vst v63  }
0x37f: {  	_ = 	snop  }
0x380: {  	[tilespmem:s12], [sflag:$0x2] =	stream.indirect_vreg.gather [hbm4b:s8+s3], $0x80, v4, vm0, $0xb8;
	[tilespmem:$0x18180] =	vst v63  }
0x381: {  	s16 =	simm.s32 $0xE980;
	v3 =	vperm.xlane v3, v2  }
0x382: {  	[tilespmem:s16], [sflag:$0x2] =	stream.indirect_vreg.gather [hbm4b:s9+s3], $0x80, v4, vm0, $0xb8;
	[tilespmem:$0x18180] =	vst v63  }
0x383: {  	v3 =	vadd.s32 v1, v3;
	s16 =	simm.s32 $0xF180  }
0x384: {  	[tilespmem:s16], [sflag:$0x2] =	stream.indirect_vreg.gather [hbm4b:s10+s3], $0x80, v4, vm0, $0xb8;
	[tilespmem:$0x18180] =	vst v63  }
0x385: {  	s12 =	simm.s32 $0xF980  }
0x386: {  	[tilespmem:s12], [sflag:$0x2] =	stream.indirect_vreg.gather [hbm4b:s11+s3], $0x80, v4, vm0, $0xb8;
	[tilespmem:$0x18180] =	vst v63  }
0x387: {  	s12 =	simm.s32 $0x10180  }
0x388: {  	[tilespmem:s12], [sflag:$0x2] =	stream.indirect_vreg.gather [hbm4b:s1+s3], $0x80, v3, vm0, $0xb8;
	[tilespmem:$0x18180] =	vst v63  }
0x389: {  	s13 =	simm.s32 $0x10980  }
0x38a: {  	[tilespmem:s13], [sflag:$0x2] =	stream.indirect_vreg.gather [hbm4b:s5+s3], $0x80, v3, vm0, $0xb8;
	[tilespmem:$0x18180] =	vst v63  }
0x38b: {  	s13 =	simm.s32 $0x11180  }
0x38c: {  	[tilespmem:s13], [sflag:$0x2] =	stream.indirect_vreg.gather [hbm4b:s6+s3], $0x80, v3, vm0, $0xb8;
	[tilespmem:$0x18180] =	vst v63  }
0x38d: {  	s18 =	simm.s32 $0x11980  }
0x38e: {  	[tilespmem:s18], [sflag:$0x2] =	stream.indirect_vreg.gather [hbm4b:s7+s3], $0x80, v3, vm0, $0xb8;
	[tilespmem:$0x18180] =	vst v63  }
0x38f: {  	s18 =	simm.s32 $0x12180  }
0x390: {  	[tilespmem:s18], [sflag:$0x2] =	stream.indirect_vreg.gather [hbm4b:s8+s3], $0x80, v3, vm0, $0xb8;
	[tilespmem:$0x18180] =	vst v63  }
0x391: {  	s28 =	simm.s32 $0x12980  }
0x392: {  	[tilespmem:s28], [sflag:$0x2] =	stream.indirect_vreg.gather [hbm4b:s9+s3], $0x80, v3, vm0, $0xb8;
	[tilespmem:$0x18180] =	vst v63  }
0x393: {  	s18 =	simm.s32 $0x13180  }
0x394: {  	[tilespmem:s18], [sflag:$0x2] =	stream.indirect_vreg.gather [hbm4b:s10+s3], $0x80, v3, vm0, $0xb8;
	[tilespmem:$0x18180] =	vst v63  }
0x395: {  	s28 =	simm.s32 $0x13980  }
0x396: {  	[tilespmem:s28], [sflag:$0x2] =	stream.indirect_vreg.gather [hbm4b:s11+s3], $0x80, v3, vm0, $0xb8;
	[tilespmem:$0x18180] =	vst v63  }
0x397: {  	v3 =	vld.msk [tilespmem:$0x148], $0xff;
	_ =	sdelay $0x4  }
0x398: {  	v59 =	vshll.u32 v3, $0x4  }
0x399: {  	v3 =	vand.u32 $0x7, v3;
	v4 =	vand.u32 $0xFFFFFF80, v59  }
0x39a: {  	v3 =	vor.u32 v3, v4  }
0x39b: {  	v3 =	vperm.xlane v3, v0;
	_ =	sdelay $0x1  }
0x39c: {  	v3 =	vadd.s32 v1, v3;
	_ =	sdelay $0x3  }
0x39d: {  	s18 =	simm.s32 $0x14180  }
0x39e: {  	[tilespmem:s18], [sflag:$0x2] =	stream.indirect_vreg.gather [hbm4b:s1+s3], $0x80, v3, vm0, $0xb8;
	[tilespmem:$0x18180] =	vst v63  }
0x39f: {  	s28 =	simm.s32 $0x14980  }
0x3a0: {  	[tilespmem:s28], [sflag:$0x2] =	stream.indirect_vreg.gather [hbm4b:s5+s3], $0x80, v3, vm0, $0xb8;
	[tilespmem:$0x18180] =	vst v63  }
0x3a1: {  	s18 =	simm.s32 $0x15180  }
0x3a2: {  	[tilespmem:s18], [sflag:$0x2] =	stream.indirect_vreg.gather [hbm4b:s6+s3], $0x80, v3, vm0, $0xb8;
	[tilespmem:$0x18180] =	vst v63  }
0x3a3: {  	s28 =	simm.s32 $0x15980  }
0x3a4: {  	[tilespmem:s28], [sflag:$0x2] =	stream.indirect_vreg.gather [hbm4b:s7+s3], $0x80, v3, vm0, $0xb8;
	[tilespmem:$0x18180] =	vst v63  }
0x3a5: {  	s18 =	simm.s32 $0x16180  }
0x3a6: {  	[tilespmem:s18], [sflag:$0x2] =	stream.indirect_vreg.gather [hbm4b:s8+s3], $0x80, v3, vm0, $0xb8;
	[tilespmem:$0x18180] =	vst v63  }
0x3a7: {  	s28 =	simm.s32 $0x16980  }
0x3a8: {  	[tilespmem:s28], [sflag:$0x2] =	stream.indirect_vreg.gather [hbm4b:s9+s3], $0x80, v3, vm0, $0xb8;
	[tilespmem:$0x18180] =	vst v63  }
0x3a9: {  	s18 =	simm.s32 $0x17180  }
0x3aa: {  	[tilespmem:s18], [sflag:$0x2] =	stream.indirect_vreg.gather [hbm4b:s10+s3], $0x80, v3, vm0, $0xb8;
	[tilespmem:$0x18180] =	vst v63  }
0x3ab: {  	s28 =	simm.s32 $0x17980  }
0x3ac: {  	[tilespmem:s28], [sflag:$0x2] =	stream.indirect_vreg.gather [hbm4b:s11+s3], $0x80, v3, vm0, $0xb8;
	[tilespmem:$0x18180] =	vst v63  }
0x3ad: {  	_ =	swait.ge [sflag:s23], $0xC000  }
0x3ae: {  	[sflag:s23] =	ssyncset.done $0x0  }
0x3af: {  	s18 =	simm.s32 $0x180;
	s0 =	rddreg [dreg:$0x10];
	[sflag:s23] =	ssyncadd.s32 $0xFFFF4000  }
0x3b0: {  	[hbm4b:s0+s3] =	stream.linear.scatter [tilespmem:s18], [sflag:$0x3], $0xC000, $0x38;
	[tilespmem:$0x18180] =	vst v63  }
0x3b1: {  	_ =	swait.ge [sflag:s24], $0xC000  }
0x3b2: {  	[sflag:s24] =	ssyncset.done $0x0  }
0x3b3: {  	[sflag:s24] =	ssyncadd.s32 $0xFFFF4000  }
0x3b4: {  	v3 =	vld [tilespmem:$0x150];
	_ =	sdelay $0x4  }
0x3b5: {  	v60 =	vshll.u32 v3, $0x4  }
0x3b6: {  	v3 =	vand.u32 $0x7, v3;
	v4 =	vand.u32 $0xFFFFFF80, v60  }
0x3b7: {  	v3 =	vor.u32 v3, v4  }
0x3b8: {  	v4 =	vperm.xlane v3, v0;
	_ =	sdelay $0x1  }
0x3b9: {  	v4 =	vadd.s32 v1, v4;
	_ =	sdelay $0x4  }
0x3ba: {  	[tilespmem:s18], [sflag:$0x1] =	stream.indirect_vreg.gather [hbm4b:s1+s3], $0x80, v4, vm0, $0xb8;
	[tilespmem:$0x18180] =	vst v63  }
0x3bb: {  	_ = 	snop  }
0x3bc: {  	[tilespmem:s15], [sflag:$0x1] =	stream.indirect_vreg.gather [hbm4b:s5+s3], $0x80, v4, vm0, $0xb8;
	[tilespmem:$0x18180] =	vst v63  }
0x3bd: {  	s15 =	simm.s32 $0x1180  }
0x3be: {  	[tilespmem:s15], [sflag:$0x1] =	stream.indirect_vreg.gather [hbm4b:s6+s3], $0x80, v4, vm0, $0xb8;
	[tilespmem:$0x18180] =	vst v63  }
0x3bf: {  	s28 =	simm.s32 $0x1980  }
0x3c0: {  	[tilespmem:s28], [sflag:$0x1] =	stream.indirect_vreg.gather [hbm4b:s7+s3], $0x80, v4, vm0, $0xb8;
	[tilespmem:$0x18180] =	vst v63  }
0x3c1: {  	s15 =	simm.s32 $0x2180  }
0x3c2: {  	[tilespmem:s15], [sflag:$0x1] =	stream.indirect_vreg.gather [hbm4b:s8+s3], $0x80, v4, vm0, $0xb8;
	[tilespmem:$0x18180] =	vst v63  }
0x3c3: {  	v3 =	vperm.xlane v3, v2;
	s28 =	simm.s32 $0x2980  }
0x3c4: {  	[tilespmem:s28], [sflag:$0x1] =	stream.indirect_vreg.gather [hbm4b:s9+s3], $0x80, v4, vm0, $0xb8;
	[tilespmem:$0x18180] =	vst v63  }
0x3c5: {  	v3 =	vadd.s32 v1, v3;
	s15 =	simm.s32 $0x3180  }
0x3c6: {  	[tilespmem:s15], [sflag:$0x1] =	stream.indirect_vreg.gather [hbm4b:s10+s3], $0x80, v4, vm0, $0xb8;
	[tilespmem:$0x18180] =	vst v63  }
0x3c7: {  	s28 =	simm.s32 $0x3980  }
0x3c8: {  	[tilespmem:s28], [sflag:$0x1] =	stream.indirect_vreg.gather [hbm4b:s11+s3], $0x80, v4, vm0, $0xb8;
	[tilespmem:$0x18180] =	vst v63  }
0x3c9: {  	s15 =	simm.s32 $0x4180  }
0x3ca: {  	[tilespmem:s15], [sflag:$0x1] =	stream.indirect_vreg.gather [hbm4b:s1+s3], $0x80, v3, vm0, $0xb8;
	[tilespmem:$0x18180] =	vst v63  }
0x3cb: {  	s28 =	simm.s32 $0x4980  }
0x3cc: {  	[tilespmem:s28], [sflag:$0x1] =	stream.indirect_vreg.gather [hbm4b:s5+s3], $0x80, v3, vm0, $0xb8;
	[tilespmem:$0x18180] =	vst v63  }
0x3cd: {  	s15 =	simm.s32 $0x5180  }
0x3ce: {  	[tilespmem:s15], [sflag:$0x1] =	stream.indirect_vreg.gather [hbm4b:s6+s3], $0x80, v3, vm0, $0xb8;
	[tilespmem:$0x18180] =	vst v63  }
0x3cf: {  	s19 =	simm.s32 $0x5980  }
0x3d0: {  	[tilespmem:s19], [sflag:$0x1] =	stream.indirect_vreg.gather [hbm4b:s7+s3], $0x80, v3, vm0, $0xb8;
	[tilespmem:$0x18180] =	vst v63  }
0x3d1: {  	s20 =	simm.s32 $0x6180  }
0x3d2: {  	[tilespmem:s20], [sflag:$0x1] =	stream.indirect_vreg.gather [hbm4b:s8+s3], $0x80, v3, vm0, $0xb8;
	[tilespmem:$0x18180] =	vst v63  }
0x3d3: {  	s21 =	simm.s32 $0x6980  }
0x3d4: {  	[tilespmem:s21], [sflag:$0x1] =	stream.indirect_vreg.gather [hbm4b:s9+s3], $0x80, v3, vm0, $0xb8;
	[tilespmem:$0x18180] =	vst v63  }
0x3d5: {  	s21 =	simm.s32 $0x7180  }
0x3d6: {  	[tilespmem:s21], [sflag:$0x1] =	stream.indirect_vreg.gather [hbm4b:s10+s3], $0x80, v3, vm0, $0xb8;
	[tilespmem:$0x18180] =	vst v63  }
0x3d7: {  	s28 =	simm.s32 $0x7980  }
0x3d8: {  	[tilespmem:s28], [sflag:$0x1] =	stream.indirect_vreg.gather [hbm4b:s11+s3], $0x80, v3, vm0, $0xb8;
	[tilespmem:$0x18180] =	vst v63  }
0x3d9: {  	v3 =	vld.msk [tilespmem:$0x160], $0xff;
	_ =	sdelay $0x4  }
0x3da: {  	v61 =	vshll.u32 v3, $0x4  }
0x3db: {  	v3 =	vand.u32 $0x7, v3;
	v4 =	vand.u32 $0xFFFFFF80, v61  }
0x3dc: {  	v3 =	vor.u32 v3, v4  }
0x3dd: {  	v3 =	vperm.xlane v3, v0;
	_ =	sdelay $0x1  }
0x3de: {  	v3 =	vadd.s32 v1, v3;
	_ =	sdelay $0x3  }
0x3df: {  	s22 =	simm.s32 $0x8180  }
0x3e0: {  	[tilespmem:s22], [sflag:$0x1] =	stream.indirect_vreg.gather [hbm4b:s1+s3], $0x80, v3, vm0, $0xb8;
	[tilespmem:$0x18180] =	vst v63  }
0x3e1: {  	s29 =	simm.s32 $0x8980  }
0x3e2: {  	[tilespmem:s29], [sflag:$0x1] =	stream.indirect_vreg.gather [hbm4b:s5+s3], $0x80, v3, vm0, $0xb8;
	[tilespmem:$0x18180] =	vst v63  }
0x3e3: {  	s30 =	simm.s32 $0x9180  }
0x3e4: {  	[tilespmem:s30], [sflag:$0x1] =	stream.indirect_vreg.gather [hbm4b:s6+s3], $0x80, v3, vm0, $0xb8;
	[tilespmem:$0x18180] =	vst v63  }
0x3e5: {  	s31 =	simm.s32 $0x9980  }
0x3e6: {  	[tilespmem:s31], [sflag:$0x1] =	stream.indirect_vreg.gather [hbm4b:s7+s3], $0x80, v3, vm0, $0xb8;
	[tilespmem:$0x18180] =	vst v63  }
0x3e7: {  	s31 =	simm.s32 $0xA180  }
0x3e8: {  	[tilespmem:s31], [sflag:$0x1] =	stream.indirect_vreg.gather [hbm4b:s8+s3], $0x80, v3, vm0, $0xb8;
	[tilespmem:$0x18180] =	vst v63  }
0x3e9: {  	_ = 	snop  }
0x3ea: {  	[tilespmem:s2], [sflag:$0x1] =	stream.indirect_vreg.gather [hbm4b:s9+s3], $0x80, v3, vm0, $0xb8;
	[tilespmem:$0x18180] =	vst v63  }
0x3eb: {  	_ = 	snop  }
0x3ec: {  	[tilespmem:s14], [sflag:$0x1] =	stream.indirect_vreg.gather [hbm4b:s10+s3], $0x80, v3, vm0, $0xb8;
	[tilespmem:$0x18180] =	vst v63  }
0x3ed: {  	s15 =	simm.s32 $0xB980  }
0x3ee: {  	[tilespmem:s15], [sflag:$0x1] =	stream.indirect_vreg.gather [hbm4b:s11+s3], $0x80, v3, vm0, $0xb8;
	[tilespmem:$0x18180] =	vst v63  }
0x3ef: {  	_ =	swait.ge [sflag:s25], $0xC000  }
0x3f0: {  	[sflag:s25] =	ssyncset.done $0x0  }
0x3f1: {  	s20 =	simm.s32 $0xC180;
	s19 =	rddreg [dreg:$0x11];
	[sflag:s25] =	ssyncadd.s32 $0xFFFF4000  }
0x3f2: {  	[hbm4b:s19+s3] =	stream.linear.scatter [tilespmem:s20], [sflag:$0x4], $0xC000, $0x38;
	[tilespmem:$0x18180] =	vst v63  }
0x3f3: {  	_ =	swait.ge [sflag:s26], $0xC000  }
0x3f4: {  	[sflag:s26] =	ssyncset.done $0x0  }
0x3f5: {  	[sflag:s26] =	ssyncadd.s32 $0xFFFF4000  }
0x3f6: {  	v3 =	vld [tilespmem:$0x168];
	_ =	sdelay $0x4  }
0x3f7: {  	v62 =	vshll.u32 v3, $0x4  }
0x3f8: {  	v3 =	vand.u32 $0x7, v3;
	v4 =	vand.u32 $0xFFFFFF80, v62  }
0x3f9: {  	v3 =	vor.u32 v3, v4  }
0x3fa: {  	v4 =	vperm.xlane v3, v0;
	_ =	sdelay $0x1  }
0x3fb: {  	v4 =	vadd.s32 v1, v4;
	_ =	sdelay $0x4  }
0x3fc: {  	[tilespmem:s20], [sflag:$0x2] =	stream.indirect_vreg.gather [hbm4b:s1+s3], $0x80, v4, vm0, $0xb8;
	[tilespmem:$0x18180] =	vst v63  }
0x3fd: {  	_ = 	snop  }
0x3fe: {  	[tilespmem:s17], [sflag:$0x2] =	stream.indirect_vreg.gather [hbm4b:s5+s3], $0x80, v4, vm0, $0xb8;
	[tilespmem:$0x18180] =	vst v63  }
0x3ff: {  	s21 =	simm.s32 $0xD180  }
0x400: {  	[tilespmem:s21], [sflag:$0x2] =	stream.indirect_vreg.gather [hbm4b:s6+s3], $0x80, v4, vm0, $0xb8;
	[tilespmem:$0x18180] =	vst v63  }
0x401: {  	_ = 	snop  }
0x402: {  	[tilespmem:s4], [sflag:$0x2] =	stream.indirect_vreg.gather [hbm4b:s7+s3], $0x80, v4, vm0, $0xb8;
	[tilespmem:$0x18180] =	vst v63  }
0x403: {  	s22 =	simm.s32 $0xE180  }
0x404: {  	[tilespmem:s22], [sflag:$0x2] =	stream.indirect_vreg.gather [hbm4b:s8+s3], $0x80, v4, vm0, $0xb8;
	[tilespmem:$0x18180] =	vst v63  }
0x405: {  	s28 =	simm.s32 $0xE980;
	v3 =	vperm.xlane v3, v2  }
0x406: {  	[tilespmem:s28], [sflag:$0x2] =	stream.indirect_vreg.gather [hbm4b:s9+s3], $0x80, v4, vm0, $0xb8;
	[tilespmem:$0x18180] =	vst v63  }
0x407: {  	v3 =	vadd.s32 v1, v3  }
0x408: {  	[tilespmem:s16], [sflag:$0x2] =	stream.indirect_vreg.gather [hbm4b:s10+s3], $0x80, v4, vm0, $0xb8;
	[tilespmem:$0x18180] =	vst v63  }
0x409: {  	s29 =	simm.s32 $0xF980  }
0x40a: {  	[tilespmem:s29], [sflag:$0x2] =	stream.indirect_vreg.gather [hbm4b:s11+s3], $0x80, v4, vm0, $0xb8;
	[tilespmem:$0x18180] =	vst v63  }
0x40b: {  	_ = 	snop  }
0x40c: {  	[tilespmem:s12], [sflag:$0x2] =	stream.indirect_vreg.gather [hbm4b:s1+s3], $0x80, v3, vm0, $0xb8;
	[tilespmem:$0x18180] =	vst v63  }
0x40d: {  	s30 =	simm.s32 $0x10980  }
0x40e: {  	[tilespmem:s30], [sflag:$0x2] =	stream.indirect_vreg.gather [hbm4b:s5+s3], $0x80, v3, vm0, $0xb8;
	[tilespmem:$0x18180] =	vst v63  }
0x40f: {  	_ = 	snop  }
0x410: {  	[tilespmem:s13], [sflag:$0x2] =	stream.indirect_vreg.gather [hbm4b:s6+s3], $0x80, v3, vm0, $0xb8;
	[tilespmem:$0x18180] =	vst v63  }
0x411: {  	s31 =	simm.s32 $0x11980  }
0x412: {  	[tilespmem:s31], [sflag:$0x2] =	stream.indirect_vreg.gather [hbm4b:s7+s3], $0x80, v3, vm0, $0xb8;
	[tilespmem:$0x18180] =	vst v63  }
0x413: {  	s12 =	simm.s32 $0x12180  }
0x414: {  	[tilespmem:s12], [sflag:$0x2] =	stream.indirect_vreg.gather [hbm4b:s8+s3], $0x80, v3, vm0, $0xb8;
	[tilespmem:$0x18180] =	vst v63  }
0x415: {  	s13 =	simm.s32 $0x12980  }
0x416: {  	[tilespmem:s13], [sflag:$0x2] =	stream.indirect_vreg.gather [hbm4b:s9+s3], $0x80, v3, vm0, $0xb8;
	[tilespmem:$0x18180] =	vst v63  }
0x417: {  	s14 =	simm.s32 $0x13180  }
0x418: {  	[tilespmem:s14], [sflag:$0x2] =	stream.indirect_vreg.gather [hbm4b:s10+s3], $0x80, v3, vm0, $0xb8;
	[tilespmem:$0x18180] =	vst v63  }
0x419: {  	s15 =	simm.s32 $0x13980  }
0x41a: {  	[tilespmem:s15], [sflag:$0x2] =	stream.indirect_vreg.gather [hbm4b:s11+s3], $0x80, v3, vm0, $0xb8;
	[tilespmem:$0x18180] =	vst v63  }
0x41b: {  	v3 =	vld.msk [tilespmem:$0x178], $0xff;
	_ =	sdelay $0x4  }
0x41c: {  	v63 =	vshll.u32 v3, $0x4  }
0x41d: {  	v3 =	vand.u32 $0x7, v3;
	v4 =	vand.u32 $0xFFFFFF80, v63  }
0x41e: {  	v3 =	vor.u32 v3, v4  }
0x41f: {  	v3 =	vperm.xlane v3, v0;
	_ =	sdelay $0x1  }
0x420: {  	v3 =	vadd.s32 v1, v3;
	_ =	sdelay $0x3  }
0x421: {  	s16 =	simm.s32 $0x14180  }
0x422: {  	[tilespmem:s16], [sflag:$0x2] =	stream.indirect_vreg.gather [hbm4b:s1+s3], $0x80, v3, vm0, $0xb8;
	[tilespmem:$0x18180] =	vst v63  }
0x423: {  	s17 =	simm.s32 $0x14980  }
0x424: {  	[tilespmem:s17], [sflag:$0x2] =	stream.indirect_vreg.gather [hbm4b:s5+s3], $0x80, v3, vm0, $0xb8;
	[tilespmem:$0x18180] =	vst v63  }
0x425: {  	s19 =	simm.s32 $0x15180  }
0x426: {  	[tilespmem:s19], [sflag:$0x2] =	stream.indirect_vreg.gather [hbm4b:s6+s3], $0x80, v3, vm0, $0xb8;
	[tilespmem:$0x18180] =	vst v63  }
0x427: {  	s20 =	simm.s32 $0x15980  }
0x428: {  	[tilespmem:s20], [sflag:$0x2] =	stream.indirect_vreg.gather [hbm4b:s7+s3], $0x80, v3, vm0, $0xb8;
	[tilespmem:$0x18180] =	vst v63  }
0x429: {  	s21 =	simm.s32 $0x16180  }
0x42a: {  	[tilespmem:s21], [sflag:$0x2] =	stream.indirect_vreg.gather [hbm4b:s8+s3], $0x80, v3, vm0, $0xb8;
	[tilespmem:$0x18180] =	vst v63  }
0x42b: {  	s22 =	simm.s32 $0x16980  }
0x42c: {  	[tilespmem:s22], [sflag:$0x2] =	stream.indirect_vreg.gather [hbm4b:s9+s3], $0x80, v3, vm0, $0xb8;
	[tilespmem:$0x18180] =	vst v63  }
0x42d: {  	s28 =	simm.s32 $0x17180  }
0x42e: {  	[tilespmem:s28], [sflag:$0x2] =	stream.indirect_vreg.gather [hbm4b:s10+s3], $0x80, v3, vm0, $0xb8;
	[tilespmem:$0x18180] =	vst v63  }
0x42f: {  	s29 =	simm.s32 $0x17980  }
0x430: {  	[tilespmem:s29], [sflag:$0x2] =	stream.indirect_vreg.gather [hbm4b:s11+s3], $0x80, v3, vm0, $0xb8;
	[tilespmem:$0x18180] =	vst v63  }
0x431: {  	s0 =	rddreg [dreg:$0x15];
	_ =	swait.ge [sflag:s23], $0xC000  }
0x432: {  	[sflag:s23] =	ssyncset.done $0x0  }
0x433: {  	s18 =	simm.s32 $0x180;
	s30 =	rddreg [dreg:$0x12];
	[sflag:s23] =	ssyncadd.s32 $0xFFFF4000  }
0x434: {  	[hbm4b:s30+s3] =	stream.linear.scatter [tilespmem:s18], [sflag:$0x3], $0xC000, $0x38;
	[tilespmem:$0x18180] =	vst v63  }
0x435: {  	_ =	swait.ge [sflag:s24], $0xC000  }
0x436: {  	[sflag:s24] =	ssyncset.done $0x0  }
0x437: {  	[sflag:s24] =	ssyncadd.s32 $0xFFFF4000  }
0x438: {  	_ =	swait.ge [sflag:s25], $0xC000  }
0x439: {  	s2 =	simm.s32 $0xC180;
	p0 =	sne.s32 s0, $0x1;
	[sflag:s25] =	ssyncset.done $0x0  }
.Ltmp0:
0x43a: {  	s31 =	rddreg [dreg:$0x13];
	[sflag:s25] =	ssyncadd.s32 $0xFFFF4000;
	(pc) =	sbr.rel @p0 .LBB2_1-.Ltmp0, $4  }
0x43b: {  	[hbm4b:s31+s3] =	stream.linear.scatter [tilespmem:s2], [sflag:$0x4], $0xC000, $0x38;
	[tilespmem:$0x18180] =	vst v63  }
0x43c: {  	_ =	swait.ge [sflag:s26], $0xC000  }
0x43d: {  	[sflag:s26] =	ssyncset.done $0x0  }
0x43e: {  	s0 =	sadd.s32 $0xFFFFFFFF, s0;
	[sflag:s26] =	ssyncadd.s32 $0xFFFF4000  }
0x43f: {  	_ =	sfence.sel $0x180000  }
0x440: {  	[bflag:$0x0] =	sbarrier.arrive $0xFFFF  }
0x441: {  	_ =	strace $0x9000004A  }
0x442: {  	s0 =	stileid.u32;
	[bflag:$0x2] =	sbarrier.arrive $0xFFFF  }
0x443: {  	p0 =	sne.s32 s0, $0x0;
	s0 =	rddreg [dreg:$0x3]  }
0x444: {  	s0 =	sadd.s32 @!p0 $0x100000, s0  }
0x445: {  	[sflag:s0] =	ssyncadd.tile.s32 @!p0 $0x1;
	_ =	shalt  }
.Lfunc_end2:
_tile_overlayer_lowered:
.L_overlay_start_2:
0x446: {  	(tag) =	ssettag $0x2  }
0x447: {  	s0 =	rddreg [dreg:$0x0];
	s2 =	stileid.u32  }
0x448: {  	s1 =	rddreg [dreg:$0x1];
	p0 =	sne.s32 s2, $0x0  }
0x449: {  	s3 =	rddreg [dreg:$0x2];
	[bflag:$0x3] =	sbarrier.arrive $0xFFFF;
	s2 =	simm.s32 @!p0 $0x1C05  }
0x44a: {  	[timem:s3], [sflag:s2] =	dma.local @!p0 [hbm:s0], s1  }
0x44b: {  	s0 =	simm.s32 @!p0 $0x5  }
0x44c: {  	_ =	swait.ge @!p0 [sflag:s0], s1  }
0x44d: {  	s1 =	ssub.s32 @!p0 $0x0, s1;
	[sflag:s0] =	ssyncset.done @!p0 $0x0  }
0x44e: {  	[sflag:s0] =	ssyncadd.s32 @!p0 s1  }
0x44f: {  	[bflag:$0x3] =	sbarrier.arrive $0xFFFF  }
0x450: {  	_ =	shalt  }

</sc_bundles>
